<compile_context>
chip_gen: v7x
topology: tpu7x:2x2x1
jax: 0.10.2.dev20260603
libtpu: 0.0.44.dev20260713+nightly
codegen_flags: <defaults>
</compile_context>

<pallas_src>
import functools

import jax
import jax.numpy as jnp
from jax import lax
from jax.experimental import pallas as pl
from jax.experimental.pallas import tpu as pltpu
from jax.experimental.pallas import tpu_sc as plsc

EMB = 32
CHUNK = 128
NUM_WORKERS = 32
L = 16


@functools.cache
def _build(n_rows, n_fields):
    rows_per_w = n_rows // NUM_WORKERS
    chunks_per_f = rows_per_w // CHUNK
    n_chunks = n_fields * chunks_per_f
    blocks_per_f = rows_per_w // L
    mesh = plsc.VectorSubcoreMesh(core_axis_name="c", subcore_axis_name="s")

    @functools.partial(
        pl.kernel,
        mesh=mesh,
        out_type=jax.ShapeDtypeStruct(
            (n_fields, EMB // 8, n_rows // 128, 8, 128), jnp.float32
        ),
        scratch_types=[
            pltpu.VMEM((rows_per_w, n_fields), jnp.int32),
            pltpu.VMEM((rows_per_w * n_fields,), jnp.int32),
            pltpu.VMEM((2, CHUNK, EMB), jnp.float32),
            pltpu.VMEM((2, EMB // 8, 8, CHUNK + 1), jnp.float32),
            pltpu.SemaphoreType.DMA((2,)),
            pltpu.SemaphoreType.DMA((2,)),
        ],
        compiler_params=pltpu.CompilerParams(
            use_tc_tiling_on_sc=False, needs_layout_passes=False
        ),
    )
    def gather_kernel(idx_hbm, table_hbm, out_hbm, idx_v, idxt_v, rows_v, rowst_v,
                      gsem, osem):
        iota = lax.iota(jnp.int32, L)
        zeros = jnp.zeros((L,), jnp.int32)
        wid = lax.axis_index("s") * 2 + lax.axis_index("c")
        base_row = wid * rows_per_w
        base_chunk = base_row // CHUNK
        pltpu.sync_copy(idx_hbm.at[pl.ds(base_row, rows_per_w)], idx_v)

        @plsc.parallel_loop(0, n_fields * blocks_per_f, unroll=8)
        def _repack(q):
            j = q // blocks_per_f
            blk = q % blocks_per_f
            vals = plsc.load_gather(idx_v, [blk * L + iota, zeros + j])
            idxt_v[pl.ds(q * L, L)] = vals

        def fire_gather(t, b):
            pltpu.async_copy(
                table_hbm.at[idxt_v.at[pl.ds(t * CHUNK, CHUNK)]],
                rows_v.at[b],
                gsem.at[b],
            )

        def drain_gather(b):
            pltpu.make_async_copy(
                table_hbm.at[idxt_v.at[pl.ds(0, CHUNK)]],
                rows_v.at[b],
                gsem.at[b],
            ).wait()

        ec1, el1 = iota // 8, iota % 8
        ec2, el2 = (iota + L) // 8, (iota + L) % 8

        def transpose_chunk(b):
            @plsc.parallel_loop(0, CHUNK, unroll=8, carry=zeros)
            def _ti(i, civ):
                plsc.store_scatter(
                    rowst_v.at[b], [ec1, el1, civ], rows_v[b, i, pl.ds(0, L)]
                )
                plsc.store_scatter(
                    rowst_v.at[b], [ec2, el2, civ], rows_v[b, i, pl.ds(L, L)]
                )
                return civ + 1

        def fire_store(t, b):
            j = t // chunks_per_f
            c = t % chunks_per_f
            pltpu.async_copy(
                rowst_v.at[b, :, :, pl.ds(0, CHUNK)],
                out_hbm.at[j, :, base_chunk + c],
                osem.at[b],
            )

        def drain_store(b):
            pltpu.make_async_copy(
                rowst_v.at[b, :, :, pl.ds(0, CHUNK)],
                out_hbm.at[0, :, 0],
                osem.at[b],
            ).wait()

        fire_gather(0, 0)

        def body(p, carry):
            for b in range(2):
                t = 2 * p + b

                @pl.when(t + 1 < n_chunks)
                def _(t=t, b=b):
                    fire_gather(t + 1, 1 - b)

                drain_gather(b)

                @pl.when(t >= 2)
                def _(b=b):
                    drain_store(b)

                transpose_chunk(b)
                fire_store(t, b)
            return carry

        lax.fori_loop(0, n_chunks // 2, body, 0)
        drain_store(0)
        drain_store(1)

    return gather_kernel


def kernel(indices, table):
    n_rows, n_fields = indices.shape
    out5d = _build(n_rows, n_fields)(indices.astype(jnp.int32), table)
    return out5d.transpose(2, 4, 0, 1, 3).reshape(n_rows, n_fields, EMB)

# --- scband reference (transcript-rebuilt; emitter-appended) ---
"""Pipeline reference for scband-representation-module-73658689126466 (READ-ONLY COPY).

The authoritative reference and input builder live on the scoring server;
editing this copy changes nothing except your own understanding.
"""

import jax, jax.numpy as jnp
import numpy as np

MAX_ID = 1000000
EMB_DIM = 32
BATCH = 16384
FIELDS = 26


def setup_inputs(seed: int = 0) -> dict:
    key = jax.random.key(seed)
    k_idx, k_tab = jax.random.split(key)
    indices = jax.random.randint(k_idx, (BATCH, FIELDS), 0, MAX_ID, dtype=jnp.int64) if jax.config.jax_enable_x64 else jax.random.randint(k_idx, (BATCH, FIELDS), 0, MAX_ID, dtype=jnp.int32)
    table = jax.random.normal(k_tab, (MAX_ID, EMB_DIM), dtype=jnp.float32)
    return {"indices": indices, "table": table}


def reference(indices, table):
    # RepresentationModule.forward(indices) for an embedding-backed representation:
    # maps integer IDs (*s,) -> representations (*s, *shape) via a row gather
    # on the (max_id, *shape) representation tensor.
    out = jnp.take(table, indices, axis=0)
    # result shape: (*indices.shape, *self.shape) == (BATCH, FIELDS, EMB_DIM)
    return out

if __name__ == "__main__":
    import jax
    _d = setup_inputs()
    print(jax.jit(kernel)(*tuple(_d.values())))

</pallas_src>

<mosaic_0001>
#map = affine_map<(d0, d1) -> (0, 0)>
#map1 = affine_map<(d0, d1) -> (0, 0, 0, 0, 0)>
module attributes {stable_mosaic.version = 14 : i64} {
  func.func @gather_kernel(%arg0: i32, %arg1: i32, %arg2: memref<16384x26xi32, #tpu.memory_space<hbm>>, %arg3: memref<1000000x32xf32, #tpu.memory_space<hbm>>, %arg4: memref<26x4x128x8x128xf32, #tpu.memory_space<hbm>>, %arg5: memref<512x26xi32, #tpu.memory_space<vmem>>, %arg6: memref<13312xi32, #tpu.memory_space<vmem>>, %arg7: memref<2x128x32xf32, #tpu.memory_space<vmem>>, %arg8: memref<2x4x8x129xf32, #tpu.memory_space<vmem>>, %arg9: memref<2x!tpu.dma_semaphore, #tpu.memory_space<semaphore_mem>>, %arg10: memref<2x!tpu.dma_semaphore, #tpu.memory_space<semaphore_mem>>) attributes {dimension_semantics = [#tpu.dimension_semantics<core_parallel>, #tpu.dimension_semantics<subcore_parallel>], iteration_bounds = array<i64: 2, 16>, scalar_prefetch = 0 : i64, scratch_operands = 6 : i64, tpu.core_type = #tpu.core_type<sc_vector_subcore>, window_params = [{transform_indices = #map}, {transform_indices = #map}, {transform_indices = #map1}]} {
    %iota3A = tpu.iota {dimensions = array<i32: 0>} : vector<16xi32>
    %broadcast_in_dim3A = arith.constant 0 : i32
    %broadcast_in_dim3A_0 = vector.broadcast %broadcast_in_dim3A : i32 to vector<16xi32>
    %mul3A = arith.constant 2 : i32
    %mul3A_1 = arith.muli %arg1, %mul3A : i32
    %add3A = arith.addi %mul3A_1, %arg0 : i32
    %mul3A_2 = arith.constant 512 : i32
    %mul3A_3 = arith.muli %add3A, %mul3A_2 : i32
    %jit3A = arith.constant 128 : i32
    %div3A = arith.divsi %mul3A_3, %jit3A : i32
    %sign3A = arith.constant 0 : i32
    %sign3A_4 = arith.cmpi sgt, %mul3A_3, %sign3A : i32
    %sign3A_5 = arith.extui %sign3A_4 : i1 to i32
    %sign3A_6 = arith.constant 0 : i32
    %sign3A_7 = arith.cmpi slt, %mul3A_3, %sign3A_6 : i32
    %sign3A_8 = arith.extui %sign3A_7 : i1 to i32
    %sign3A_9 = arith.subi %sign3A_5, %sign3A_8 : i32
    %sign3A_10 = arith.constant 0 : i32
    %sign3A_11 = arith.cmpi sgt, %jit3A, %sign3A_10 : i32
    %sign3A_12 = arith.extui %sign3A_11 : i1 to i32
    %sign3A_13 = arith.constant 0 : i32
    %sign3A_14 = arith.cmpi slt, %jit3A, %sign3A_13 : i32
    %sign3A_15 = arith.extui %sign3A_14 : i1 to i32
    %sign3A_16 = arith.subi %sign3A_12, %sign3A_15 : i32
    %ne3A = arith.cmpi ne, %sign3A_9, %sign3A_16 : i32
    %rem3A = arith.remsi %mul3A_3, %jit3A : i32
    %ne3A_17 = arith.constant 0 : i32
    %ne3A_18 = arith.cmpi ne, %rem3A, %ne3A_17 : i32
    %and3A = arith.andi %ne3A, %ne3A_18 : i1
    %sub3A = arith.constant 1 : i32
    %sub3A_19 = arith.subi %div3A, %sub3A : i32
    %select_n3A = arith.select %and3A, %sub3A_19, %div3A : i32
    "tpu.region"() ({
      %run_scoped3A = tpu.sem_alloc : memref<!tpu.dma_semaphore, #tpu.memory_space<semaphore_mem>>
      %dma_start3A_200 = arith.constant 0 : i32
      %dma_start3A_201 = tpu.memref_slice %arg2[%mul3A_3, %dma_start3A_200] : memref<16384x26xi32, #tpu.memory_space<hbm>> -> memref<512x26xi32, #tpu.memory_space<hbm>>
      %dma_start3A_202 = arith.constant 0 : i32
      %dma_start3A_203 = tpu.memref_slice %arg2[%mul3A_3, %dma_start3A_202] : memref<16384x26xi32, #tpu.memory_space<hbm>> -> memref<512x26xi32, #tpu.memory_space<hbm>>
      tpu.enqueue_dma source(%dma_start3A_203 : memref<512x26xi32, #tpu.memory_space<hbm>>) target(%arg5 : memref<512x26xi32, #tpu.memory_space<vmem>>) target_semaphore(%run_scoped3A : memref<!tpu.dma_semaphore, #tpu.memory_space<semaphore_mem>>)
      %dma_wait3A_204 = arith.constant 0 : i32
      %dma_wait3A_205 = tpu.memref_slice %arg2[%mul3A_3, %dma_wait3A_204] : memref<16384x26xi32, #tpu.memory_space<hbm>> -> memref<512x26xi32, #tpu.memory_space<hbm>>
      %dma_wait3A_206 = arith.constant 0 : i32
      %dma_wait3A_207 = tpu.memref_slice %arg2[%mul3A_3, %dma_wait3A_206] : memref<16384x26xi32, #tpu.memory_space<hbm>> -> memref<512x26xi32, #tpu.memory_space<hbm>>
      tpu.wait_dma2 semaphore(%run_scoped3A : memref<!tpu.dma_semaphore, #tpu.memory_space<semaphore_mem>>) src(%dma_wait3A_207 : memref<512x26xi32, #tpu.memory_space<hbm>>) dst(%arg5 : memref<512x26xi32, #tpu.memory_space<vmem>>)
      tpu.yield
    }) : () -> ()
    %parallel_loop3A = arith.constant 0 : i32
    %parallel_loop3A_20 = arith.constant 832 : i32
    %parallel_loop3A_21 = arith.constant 1 : i32
    scf.for %parallel_loop3A_200 = %parallel_loop3A to %parallel_loop3A_20 step %parallel_loop3A_21  : i32 {
      %parallel_loop3A_201 = arith.constant 32 : i32
      %parallel_loop3A_202 = arith.divsi %parallel_loop3A_200, %parallel_loop3A_201 : i32
      %parallel_loop3A_203 = arith.constant 0 : i32
      %parallel_loop3A_204 = arith.cmpi sgt, %parallel_loop3A_200, %parallel_loop3A_203 : i32
      %parallel_loop3A_205 = arith.extui %parallel_loop3A_204 : i1 to i32
      %parallel_loop3A_206 = arith.constant 0 : i32
      %parallel_loop3A_207 = arith.cmpi slt, %parallel_loop3A_200, %parallel_loop3A_206 : i32
      %parallel_loop3A_208 = arith.extui %parallel_loop3A_207 : i1 to i32
      %parallel_loop3A_209 = arith.subi %parallel_loop3A_205, %parallel_loop3A_208 : i32
      %parallel_loop3A_210 = arith.constant 0 : i32
      %parallel_loop3A_211 = arith.cmpi sgt, %parallel_loop3A_201, %parallel_loop3A_210 : i32
      %parallel_loop3A_212 = arith.extui %parallel_loop3A_211 : i1 to i32
      %parallel_loop3A_213 = arith.constant 0 : i32
      %parallel_loop3A_214 = arith.cmpi slt, %parallel_loop3A_201, %parallel_loop3A_213 : i32
      %parallel_loop3A_215 = arith.extui %parallel_loop3A_214 : i1 to i32
      %parallel_loop3A_216 = arith.subi %parallel_loop3A_212, %parallel_loop3A_215 : i32
      %parallel_loop3A_217 = arith.cmpi ne, %parallel_loop3A_209, %parallel_loop3A_216 : i32
      %parallel_loop3A_218 = arith.remsi %parallel_loop3A_200, %parallel_loop3A_201 : i32
      %parallel_loop3A_219 = arith.constant 0 : i32
      %parallel_loop3A_220 = arith.cmpi ne, %parallel_loop3A_218, %parallel_loop3A_219 : i32
      %parallel_loop3A_221 = arith.andi %parallel_loop3A_217, %parallel_loop3A_220 : i1
      %parallel_loop3A_222 = arith.constant 1 : i32
      %parallel_loop3A_223 = arith.subi %parallel_loop3A_202, %parallel_loop3A_222 : i32
      %parallel_loop3A_224 = arith.select %parallel_loop3A_221, %parallel_loop3A_223, %parallel_loop3A_202 : i32
      %parallel_loop3A_225 = arith.constant 32 : i32
      %parallel_loop3A_226 = arith.constant 0 : i32
      %parallel_loop3A_227 = arith.cmpi eq, %parallel_loop3A_225, %parallel_loop3A_226 : i32
      %parallel_loop3A_228 = arith.constant 1 : i32
      %parallel_loop3A_229 = arith.select %parallel_loop3A_227, %parallel_loop3A_228, %parallel_loop3A_225 : i32
      %parallel_loop3A_230 = arith.remsi %parallel_loop3A_200, %parallel_loop3A_229 : i32
      %parallel_loop3A_231 = arith.constant 0 : i32
      %parallel_loop3A_232 = arith.cmpi ne, %parallel_loop3A_230, %parallel_loop3A_231 : i32
      %parallel_loop3A_233 = arith.constant 0 : i32
      %parallel_loop3A_234 = arith.cmpi slt, %parallel_loop3A_230, %parallel_loop3A_233 : i32
      %parallel_loop3A_235 = arith.constant 0 : i32
      %parallel_loop3A_236 = arith.cmpi slt, %parallel_loop3A_229, %parallel_loop3A_235 : i32
      %parallel_loop3A_237 = arith.xori %parallel_loop3A_234, %parallel_loop3A_236 : i1
      %parallel_loop3A_238 = arith.andi %parallel_loop3A_237, %parallel_loop3A_232 : i1
      %parallel_loop3A_239 = arith.addi %parallel_loop3A_230, %parallel_loop3A_229 : i32
      %parallel_loop3A_240 = arith.select %parallel_loop3A_238, %parallel_loop3A_239, %parallel_loop3A_230 : i32
      %parallel_loop3A_241 = arith.constant 16 : i32
      %parallel_loop3A_242 = arith.muli %parallel_loop3A_240, %parallel_loop3A_241 : i32
      %parallel_loop3A_243 = vector.broadcast %parallel_loop3A_242 : i32 to vector<16xi32>
      %parallel_loop3A_244 = arith.addi %parallel_loop3A_243, %iota3A : vector<16xi32>
      %parallel_loop3A_245 = vector.broadcast %parallel_loop3A_224 : i32 to vector<16xi32>
      %parallel_loop3A_246 = arith.addi %broadcast_in_dim3A_0, %parallel_loop3A_245 : vector<16xi32>
      %parallel_loop3A_247 = tpu.vector_load_idx %arg5[%parallel_loop3A_244, %parallel_loop3A_246] : memref<512x26xi32, #tpu.memory_space<vmem>>[vector<16xi32>, vector<16xi32>], vector<16xi32>,
      %parallel_loop3A_248 = arith.constant 16 : i32
      %parallel_loop3A_249 = arith.muli %parallel_loop3A_200, %parallel_loop3A_248 : i32
      %parallel_loop3A_250 = arith.index_cast %parallel_loop3A_249 : i32 to index
      %parallel_loop3A_251 = tpu.vector_load %arg6[%parallel_loop3A_250] {strides = array<i32>} : memref<13312xi32, #tpu.memory_space<vmem>>, vector<16xi32>,
      tpu.vector_store %arg6[%parallel_loop3A_250], %parallel_loop3A_247 {strides = array<i32>} : memref<13312xi32, #tpu.memory_space<vmem>>, vector<16xi32>,
    } {sc.loop_unroll_factor = 8 : i64, sc.parallel_access}
    %jit3A_22 = arith.constant 8 : i32
    %div3A_23 = vector.broadcast %jit3A_22 : i32 to vector<16xi32>
    %div3A_24 = arith.divsi %iota3A, %div3A_23 : vector<16xi32>
    %sign3A_25 = arith.constant 0 : i32
    %sign3A_26 = vector.broadcast %sign3A_25 : i32 to vector<16xi32>
    %sign3A_27 = arith.cmpi sgt, %iota3A, %sign3A_26 : vector<16xi32>
    %sign3A_28 = arith.extui %sign3A_27 : vector<16xi1> to vector<16xi32>
    %sign3A_29 = arith.constant 0 : i32
    %sign3A_30 = vector.broadcast %sign3A_29 : i32 to vector<16xi32>
    %sign3A_31 = arith.cmpi slt, %iota3A, %sign3A_30 : vector<16xi32>
    %sign3A_32 = arith.extui %sign3A_31 : vector<16xi1> to vector<16xi32>
    %sign3A_33 = arith.subi %sign3A_28, %sign3A_32 : vector<16xi32>
    %sign3A_34 = arith.constant 0 : i32
    %sign3A_35 = arith.cmpi sgt, %jit3A_22, %sign3A_34 : i32
    %sign3A_36 = arith.extui %sign3A_35 : i1 to i32
    %sign3A_37 = arith.constant 0 : i32
    %sign3A_38 = arith.cmpi slt, %jit3A_22, %sign3A_37 : i32
    %sign3A_39 = arith.extui %sign3A_38 : i1 to i32
    %sign3A_40 = arith.subi %sign3A_36, %sign3A_39 : i32
    %ne3A_41 = vector.broadcast %sign3A_40 : i32 to vector<16xi32>
    %ne3A_42 = arith.cmpi ne, %sign3A_33, %ne3A_41 : vector<16xi32>
    %rem3A_43 = vector.broadcast %jit3A_22 : i32 to vector<16xi32>
    %rem3A_44 = arith.remsi %iota3A, %rem3A_43 : vector<16xi32>
    %ne3A_45 = arith.constant 0 : i32
    %ne3A_46 = vector.broadcast %ne3A_45 : i32 to vector<16xi32>
    %ne3A_47 = arith.cmpi ne, %rem3A_44, %ne3A_46 : vector<16xi32>
    %and3A_48 = arith.andi %ne3A_42, %ne3A_47 : vector<16xi1>
    %sub3A_49 = arith.constant 1 : i32
    %sub3A_50 = vector.broadcast %sub3A_49 : i32 to vector<16xi32>
    %sub3A_51 = arith.subi %div3A_24, %sub3A_50 : vector<16xi32>
    %select_n3A_52 = arith.select %and3A_48, %sub3A_51, %div3A_24 : vector<16xi1>, vector<16xi32>
    %jit3A_53 = arith.constant 8 : i32
    %eq3A = arith.constant 0 : i32
    %eq3A_54 = arith.cmpi eq, %jit3A_53, %eq3A : i32
    %jit3A_55 = arith.constant 1 : i32
    %select_n3A_56 = arith.select %eq3A_54, %jit3A_55, %jit3A_53 : i32
    %rem3A_57 = vector.broadcast %select_n3A_56 : i32 to vector<16xi32>
    %rem3A_58 = arith.remsi %iota3A, %rem3A_57 : vector<16xi32>
    %ne3A_59 = arith.constant 0 : i32
    %ne3A_60 = vector.broadcast %ne3A_59 : i32 to vector<16xi32>
    %ne3A_61 = arith.cmpi ne, %rem3A_58, %ne3A_60 : vector<16xi32>
    %lt3A = arith.constant 0 : i32
    %lt3A_62 = vector.broadcast %lt3A : i32 to vector<16xi32>
    %lt3A_63 = arith.cmpi slt, %rem3A_58, %lt3A_62 : vector<16xi32>
    %lt3A_64 = arith.constant 0 : i32
    %lt3A_65 = arith.cmpi slt, %select_n3A_56, %lt3A_64 : i32
    %ne3A_66 = vector.broadcast %lt3A_65 : i1 to vector<16xi1>
    %ne3A_67 = vector.broadcast %ne3A_66 : vector<16xi1> to vector<16xi1>
    %ne3A_68 = arith.xori %lt3A_63, %ne3A_67 : vector<16xi1>
    %and3A_69 = arith.andi %ne3A_68, %ne3A_61 : vector<16xi1>
    %add3A_70 = vector.broadcast %select_n3A_56 : i32 to vector<16xi32>
    %add3A_71 = arith.addi %rem3A_58, %add3A_70 : vector<16xi32>
    %select_n3A_72 = arith.select %and3A_69, %add3A_71, %rem3A_58 : vector<16xi1>, vector<16xi32>
    %add3A_73 = arith.constant 16 : i32
    %add3A_74 = vector.broadcast %add3A_73 : i32 to vector<16xi32>
    %add3A_75 = arith.addi %iota3A, %add3A_74 : vector<16xi32>
    %jit3A_76 = arith.constant 8 : i32
    %div3A_77 = vector.broadcast %jit3A_76 : i32 to vector<16xi32>
    %div3A_78 = arith.divsi %add3A_75, %div3A_77 : vector<16xi32>
    %sign3A_79 = arith.constant 0 : i32
    %sign3A_80 = vector.broadcast %sign3A_79 : i32 to vector<16xi32>
    %sign3A_81 = arith.cmpi sgt, %add3A_75, %sign3A_80 : vector<16xi32>
    %sign3A_82 = arith.extui %sign3A_81 : vector<16xi1> to vector<16xi32>
    %sign3A_83 = arith.constant 0 : i32
    %sign3A_84 = vector.broadcast %sign3A_83 : i32 to vector<16xi32>
    %sign3A_85 = arith.cmpi slt, %add3A_75, %sign3A_84 : vector<16xi32>
    %sign3A_86 = arith.extui %sign3A_85 : vector<16xi1> to vector<16xi32>
    %sign3A_87 = arith.subi %sign3A_82, %sign3A_86 : vector<16xi32>
    %sign3A_88 = arith.constant 0 : i32
    %sign3A_89 = arith.cmpi sgt, %jit3A_76, %sign3A_88 : i32
    %sign3A_90 = arith.extui %sign3A_89 : i1 to i32
    %sign3A_91 = arith.constant 0 : i32
    %sign3A_92 = arith.cmpi slt, %jit3A_76, %sign3A_91 : i32
    %sign3A_93 = arith.extui %sign3A_92 : i1 to i32
    %sign3A_94 = arith.subi %sign3A_90, %sign3A_93 : i32
    %ne3A_95 = vector.broadcast %sign3A_94 : i32 to vector<16xi32>
    %ne3A_96 = arith.cmpi ne, %sign3A_87, %ne3A_95 : vector<16xi32>
    %rem3A_97 = vector.broadcast %jit3A_76 : i32 to vector<16xi32>
    %rem3A_98 = arith.remsi %add3A_75, %rem3A_97 : vector<16xi32>
    %ne3A_99 = arith.constant 0 : i32
    %ne3A_100 = vector.broadcast %ne3A_99 : i32 to vector<16xi32>
    %ne3A_101 = arith.cmpi ne, %rem3A_98, %ne3A_100 : vector<16xi32>
    %and3A_102 = arith.andi %ne3A_96, %ne3A_101 : vector<16xi1>
    %sub3A_103 = arith.constant 1 : i32
    %sub3A_104 = vector.broadcast %sub3A_103 : i32 to vector<16xi32>
    %sub3A_105 = arith.subi %div3A_78, %sub3A_104 : vector<16xi32>
    %select_n3A_106 = arith.select %and3A_102, %sub3A_105, %div3A_78 : vector<16xi1>, vector<16xi32>
    %add3A_107 = arith.constant 16 : i32
    %add3A_108 = vector.broadcast %add3A_107 : i32 to vector<16xi32>
    %add3A_109 = arith.addi %iota3A, %add3A_108 : vector<16xi32>
    %jit3A_110 = arith.constant 8 : i32
    %eq3A_111 = arith.constant 0 : i32
    %eq3A_112 = arith.cmpi eq, %jit3A_110, %eq3A_111 : i32
    %jit3A_113 = arith.constant 1 : i32
    %select_n3A_114 = arith.select %eq3A_112, %jit3A_113, %jit3A_110 : i32
    %rem3A_115 = vector.broadcast %select_n3A_114 : i32 to vector<16xi32>
    %rem3A_116 = arith.remsi %add3A_109, %rem3A_115 : vector<16xi32>
    %ne3A_117 = arith.constant 0 : i32
    %ne3A_118 = vector.broadcast %ne3A_117 : i32 to vector<16xi32>
    %ne3A_119 = arith.cmpi ne, %rem3A_116, %ne3A_118 : vector<16xi32>
    %lt3A_120 = arith.constant 0 : i32
    %lt3A_121 = vector.broadcast %lt3A_120 : i32 to vector<16xi32>
    %lt3A_122 = arith.cmpi slt, %rem3A_116, %lt3A_121 : vector<16xi32>
    %lt3A_123 = arith.constant 0 : i32
    %lt3A_124 = arith.cmpi slt, %select_n3A_114, %lt3A_123 : i32
    %ne3A_125 = vector.broadcast %lt3A_124 : i1 to vector<16xi1>
    %ne3A_126 = vector.broadcast %ne3A_125 : vector<16xi1> to vector<16xi1>
    %ne3A_127 = arith.xori %lt3A_122, %ne3A_126 : vector<16xi1>
    %and3A_128 = arith.andi %ne3A_127, %ne3A_119 : vector<16xi1>
    %add3A_129 = vector.broadcast %select_n3A_114 : i32 to vector<16xi32>
    %add3A_130 = arith.addi %rem3A_116, %add3A_129 : vector<16xi32>
    %select_n3A_131 = arith.select %and3A_128, %add3A_130, %rem3A_116 : vector<16xi1>, vector<16xi32>
    %dma_start3A = arith.constant 0 : i32
    %dma_start3A_132 = arith.constant 0 : i32
    %dma_start3A_133 = arith.constant 0 : i32
    %dma_start3A_134 = arith.constant 0 : i32
    %dma_start3A_135 = tpu.memref_slice %arg7[%dma_start3A, %dma_start3A_133, %dma_start3A_134] : memref<2x128x32xf32, #tpu.memory_space<vmem>> -> memref<1x128x32xf32, #tpu.memory_space<vmem>>
    %dma_start3A_136 = tpu.memref_squeeze %dma_start3A_135 : memref<1x128x32xf32, #tpu.memory_space<vmem>> -> memref<128x32xf32, #tpu.memory_space<vmem>>
    %dma_start3A_137 = arith.constant 0 : i32
    %dma_start3A_138 = tpu.memref_slice %arg6[%dma_start3A_137] : memref<13312xi32, #tpu.memory_space<vmem>> -> memref<128xi32, #tpu.memory_space<vmem>>
    %dma_start3A_139 = arith.constant 0 : i32
    %dma_start3A_140 = arith.constant 0 : i32
    %dma_start3A_141 = tpu.memref_slice %arg3[%dma_start3A_139, %dma_start3A_140] : memref<1000000x32xf32, #tpu.memory_space<hbm>> -> memref<1000000x32xf32, #tpu.memory_space<hbm>>
    %dma_start3A_142 = tpu.memref_slice %arg9[%dma_start3A_132] : memref<2x!tpu.dma_semaphore, #tpu.memory_space<semaphore_mem>> -> memref<1x!tpu.dma_semaphore, #tpu.memory_space<semaphore_mem>>
    %dma_start3A_143 = tpu.memref_squeeze %dma_start3A_142 : memref<1x!tpu.dma_semaphore, #tpu.memory_space<semaphore_mem>> -> memref<!tpu.dma_semaphore, #tpu.memory_space<semaphore_mem>>
    tpu.enqueue_indirect_dma source(%dma_start3A_141 : memref<1000000x32xf32, #tpu.memory_space<hbm>>) target(%dma_start3A_136 : memref<128x32xf32, #tpu.memory_space<vmem>>) offsets(%dma_start3A_138 : memref<128xi32, #tpu.memory_space<vmem>>) semaphore(%dma_start3A_143 : memref<!tpu.dma_semaphore, #tpu.memory_space<semaphore_mem>>)
    %scan3A = arith.constant 0 : i32
    %scan3A_144 = arith.constant 0 : i32
    %scan3A_145 = arith.constant 52 : i32
    %scan3A_146 = arith.addi %scan3A_144, %scan3A_145 : i32
    %scan3A_147 = arith.constant 1 : i32
    scf.for %scan3A_200 = %scan3A_144 to %scan3A_146 step %scan3A_147  : i32 {
      %mul3A_201 = arith.constant 2 : i32
      %mul3A_202 = arith.muli %mul3A_201, %scan3A_200 : i32
      %add3A_203 = arith.constant 0 : i32
      %add3A_204 = arith.addi %mul3A_202, %add3A_203 : i32
      %add3A_205 = arith.constant 1 : i32
      %add3A_206 = arith.addi %add3A_204, %add3A_205 : i32
      %lt3A_207 = arith.constant 104 : i32
      %lt3A_208 = arith.cmpi slt, %add3A_206, %lt3A_207 : i32
      %convert_element_type3A = arith.extui %lt3A_208 : i1 to i32
      %cond3A = arith.constant 0 : i32
      %cond3A_209 = arith.cmpi ne, %convert_element_type3A, %cond3A : i32
      scf.if %cond3A_209 {
        %add3A_394 = arith.constant 1 : i32
        %add3A_395 = arith.addi %add3A_204, %add3A_394 : i32
        %mul3A_396 = arith.constant 128 : i32
        %mul3A_397 = arith.muli %add3A_395, %mul3A_396 : i32
        %dma_start3A_398 = arith.constant 1 : i32
        %dma_start3A_399 = arith.constant 1 : i32
        %dma_start3A_400 = arith.constant 0 : i32
        %dma_start3A_401 = arith.constant 0 : i32
        %dma_start3A_402 = tpu.memref_slice %arg7[%dma_start3A_398, %dma_start3A_400, %dma_start3A_401] : memref<2x128x32xf32, #tpu.memory_space<vmem>> -> memref<1x128x32xf32, #tpu.memory_space<vmem>>
        %dma_start3A_403 = tpu.memref_squeeze %dma_start3A_402 : memref<1x128x32xf32, #tpu.memory_space<vmem>> -> memref<128x32xf32, #tpu.memory_space<vmem>>
        %dma_start3A_404 = tpu.memref_slice %arg6[%mul3A_397] : memref<13312xi32, #tpu.memory_space<vmem>> -> memref<128xi32, #tpu.memory_space<vmem>>
        %dma_start3A_405 = arith.constant 0 : i32
        %dma_start3A_406 = arith.constant 0 : i32
        %dma_start3A_407 = tpu.memref_slice %arg3[%dma_start3A_405, %dma_start3A_406] : memref<1000000x32xf32, #tpu.memory_space<hbm>> -> memref<1000000x32xf32, #tpu.memory_space<hbm>>
        %dma_start3A_408 = tpu.memref_slice %arg9[%dma_start3A_399] : memref<2x!tpu.dma_semaphore, #tpu.memory_space<semaphore_mem>> -> memref<1x!tpu.dma_semaphore, #tpu.memory_space<semaphore_mem>>
        %dma_start3A_409 = tpu.memref_squeeze %dma_start3A_408 : memref<1x!tpu.dma_semaphore, #tpu.memory_space<semaphore_mem>> -> memref<!tpu.dma_semaphore, #tpu.memory_space<semaphore_mem>>
        tpu.enqueue_indirect_dma source(%dma_start3A_407 : memref<1000000x32xf32, #tpu.memory_space<hbm>>) target(%dma_start3A_403 : memref<128x32xf32, #tpu.memory_space<vmem>>) offsets(%dma_start3A_404 : memref<128xi32, #tpu.memory_space<vmem>>) semaphore(%dma_start3A_409 : memref<!tpu.dma_semaphore, #tpu.memory_space<semaphore_mem>>)
      } else {
      }
      %dma_wait3A_210 = arith.constant 0 : i32
      %dma_wait3A_211 = arith.constant 0 : i32
      %dma_wait3A_212 = arith.constant 0 : i32
      %dma_wait3A_213 = arith.constant 0 : i32
      %dma_wait3A_214 = tpu.memref_slice %arg7[%dma_wait3A_210, %dma_wait3A_212, %dma_wait3A_213] : memref<2x128x32xf32, #tpu.memory_space<vmem>> -> memref<1x128x32xf32, #tpu.memory_space<vmem>>
      %dma_wait3A_215 = tpu.memref_squeeze %dma_wait3A_214 : memref<1x128x32xf32, #tpu.memory_space<vmem>> -> memref<128x32xf32, #tpu.memory_space<vmem>>
      %dma_wait3A_216 = arith.constant 0 : i32
      %dma_wait3A_217 = tpu.memref_slice %arg6[%dma_wait3A_216] : memref<13312xi32, #tpu.memory_space<vmem>> -> memref<128xi32, #tpu.memory_space<vmem>>
      %dma_wait3A_218 = arith.constant 0 : i32
      %dma_wait3A_219 = arith.constant 0 : i32
      %dma_wait3A_220 = tpu.memref_slice %arg3[%dma_wait3A_218, %dma_wait3A_219] : memref<1000000x32xf32, #tpu.memory_space<hbm>> -> memref<1000000x32xf32, #tpu.memory_space<hbm>>
      %dma_wait3A_221 = tpu.memref_slice %arg9[%dma_wait3A_211] : memref<2x!tpu.dma_semaphore, #tpu.memory_space<semaphore_mem>> -> memref<1x!tpu.dma_semaphore, #tpu.memory_space<semaphore_mem>>
      %dma_wait3A_222 = tpu.memref_squeeze %dma_wait3A_221 : memref<1x!tpu.dma_semaphore, #tpu.memory_space<semaphore_mem>> -> memref<!tpu.dma_semaphore, #tpu.memory_space<semaphore_mem>>
      tpu.wait_indirect_dma semaphore(%dma_wait3A_222 : memref<!tpu.dma_semaphore, #tpu.memory_space<semaphore_mem>>) src(%dma_wait3A_220 : memref<1000000x32xf32, #tpu.memory_space<hbm>>) dst(%dma_wait3A_215 : memref<128x32xf32, #tpu.memory_space<vmem>>)
      %ge3A = arith.constant 2 : i32
      %ge3A_223 = arith.cmpi sge, %add3A_204, %ge3A : i32
      %convert_element_type3A_224 = arith.extui %ge3A_223 : i1 to i32
      %cond3A_225 = arith.constant 0 : i32
      %cond3A_226 = arith.cmpi ne, %convert_element_type3A_224, %cond3A_225 : i32
      scf.if %cond3A_226 {
        %dma_wait3A_394 = arith.constant 0 : i32
        %dma_wait3A_395 = arith.constant 0 : i32
        %dma_wait3A_396 = arith.constant 0 : i32
        %dma_wait3A_397 = arith.constant 0 : i32
        %dma_wait3A_398 = arith.constant 0 : i32
        %dma_wait3A_399 = arith.constant 0 : i32
        %dma_wait3A_400 = arith.constant 0 : i32
        %dma_wait3A_401 = tpu.memref_slice %arg8[%dma_wait3A_394, %dma_wait3A_398, %dma_wait3A_399, %dma_wait3A_400] : memref<2x4x8x129xf32, #tpu.memory_space<vmem>> -> memref<1x4x8x128xf32, #tpu.memory_space<vmem>>
        %dma_wait3A_402 = tpu.memref_squeeze %dma_wait3A_401 : memref<1x4x8x128xf32, #tpu.memory_space<vmem>> -> memref<4x8x128xf32, #tpu.memory_space<vmem>>
        %dma_wait3A_403 = arith.constant 0 : i32
        %dma_wait3A_404 = arith.constant 0 : i32
        %dma_wait3A_405 = arith.constant 0 : i32
        %dma_wait3A_406 = tpu.memref_slice %arg4[%dma_wait3A_395, %dma_wait3A_403, %dma_wait3A_396, %dma_wait3A_404, %dma_wait3A_405] : memref<26x4x128x8x128xf32, #tpu.memory_space<hbm>> -> memref<1x4x1x8x128xf32, #tpu.memory_space<hbm>>
        %dma_wait3A_407 = tpu.memref_squeeze %dma_wait3A_406 : memref<1x4x1x8x128xf32, #tpu.memory_space<hbm>> -> memref<4x8x128xf32, #tpu.memory_space<hbm>>
        %dma_wait3A_408 = tpu.memref_slice %arg10[%dma_wait3A_397] : memref<2x!tpu.dma_semaphore, #tpu.memory_space<semaphore_mem>> -> memref<1x!tpu.dma_semaphore, #tpu.memory_space<semaphore_mem>>
        %dma_wait3A_409 = tpu.memref_squeeze %dma_wait3A_408 : memref<1x!tpu.dma_semaphore, #tpu.memory_space<semaphore_mem>> -> memref<!tpu.dma_semaphore, #tpu.memory_space<semaphore_mem>>
        %dma_wait3A_410 = arith.constant 0 : i32
        %dma_wait3A_411 = arith.constant 0 : i32
        %dma_wait3A_412 = arith.constant 0 : i32
        %dma_wait3A_413 = tpu.memref_slice %arg4[%dma_wait3A_395, %dma_wait3A_410, %dma_wait3A_396, %dma_wait3A_411, %dma_wait3A_412] : memref<26x4x128x8x128xf32, #tpu.memory_space<hbm>> -> memref<1x4x1x8x128xf32, #tpu.memory_space<hbm>>
        %dma_wait3A_414 = tpu.memref_squeeze %dma_wait3A_413 : memref<1x4x1x8x128xf32, #tpu.memory_space<hbm>> -> memref<4x8x128xf32, #tpu.memory_space<hbm>>
        %dma_wait3A_415 = arith.constant 0 : i32
        %dma_wait3A_416 = arith.constant 0 : i32
        %dma_wait3A_417 = arith.constant 0 : i32
        %dma_wait3A_418 = tpu.memref_slice %arg8[%dma_wait3A_394, %dma_wait3A_415, %dma_wait3A_416, %dma_wait3A_417] : memref<2x4x8x129xf32, #tpu.memory_space<vmem>> -> memref<1x4x8x128xf32, #tpu.memory_space<vmem>>
        %dma_wait3A_419 = tpu.memref_squeeze %dma_wait3A_418 : memref<1x4x8x128xf32, #tpu.memory_space<vmem>> -> memref<4x8x128xf32, #tpu.memory_space<vmem>>
        tpu.wait_dma2 semaphore(%dma_wait3A_409 : memref<!tpu.dma_semaphore, #tpu.memory_space<semaphore_mem>>) src(%dma_wait3A_419 : memref<4x8x128xf32, #tpu.memory_space<vmem>>) dst(%dma_wait3A_414 : memref<4x8x128xf32, #tpu.memory_space<hbm>>)
      } else {
      }
      %parallel_loop3A_227 = arith.constant 0 : i32
      %parallel_loop3A_228 = arith.constant 128 : i32
      %parallel_loop3A_229 = arith.constant 1 : i32
      %parallel_loop3A_230 = scf.for %parallel_loop3A_394 = %parallel_loop3A_227 to %parallel_loop3A_228 step %parallel_loop3A_229 iter_args(%parallel_loop3A_395 = %broadcast_in_dim3A_0) -> (vector<16xi32>)  : i32 {
        %parallel_loop3A_396 = arith.constant 0 : i32
        %parallel_loop3A_397 = arith.index_cast %parallel_loop3A_396 : i32 to index
        %parallel_loop3A_398 = arith.index_cast %parallel_loop3A_394 : i32 to index
        %parallel_loop3A_399 = arith.constant 0 : index
        %parallel_loop3A_400 = tpu.vector_load %arg7[%parallel_loop3A_397, %parallel_loop3A_398, %parallel_loop3A_399] {strides = array<i32>} : memref<2x128x32xf32, #tpu.memory_space<vmem>>, vector<16xf32>,
        %parallel_loop3A_401 = arith.constant 0 : i32
        %parallel_loop3A_402 = arith.constant 0 : i32
        %parallel_loop3A_403 = arith.constant 0 : i32
        %parallel_loop3A_404 = arith.constant 0 : i32
        %parallel_loop3A_405 = tpu.memref_slice %arg8[%parallel_loop3A_401, %parallel_loop3A_402, %parallel_loop3A_403, %parallel_loop3A_404] : memref<2x4x8x129xf32, #tpu.memory_space<vmem>> -> memref<1x4x8x129xf32, #tpu.memory_space<vmem>>
        %parallel_loop3A_406 = tpu.memref_squeeze %parallel_loop3A_405 : memref<1x4x8x129xf32, #tpu.memory_space<vmem>> -> memref<4x8x129xf32, #tpu.memory_space<vmem>>
        tpu.vector_store_idx %parallel_loop3A_406[%select_n3A_52, %select_n3A_72, %parallel_loop3A_395], %parallel_loop3A_400 : memref<4x8x129xf32, #tpu.memory_space<vmem>>[vector<16xi32>, vector<16xi32>, vector<16xi32>], vector<16xf32>,
        %parallel_loop3A_407 = arith.constant 0 : i32
        %parallel_loop3A_408 = arith.index_cast %parallel_loop3A_407 : i32 to index
        %parallel_loop3A_409 = arith.index_cast %parallel_loop3A_394 : i32 to index
        %parallel_loop3A_410 = arith.constant 16 : index
        %parallel_loop3A_411 = tpu.vector_load %arg7[%parallel_loop3A_408, %parallel_loop3A_409, %parallel_loop3A_410] {strides = array<i32>} : memref<2x128x32xf32, #tpu.memory_space<vmem>>, vector<16xf32>,
        %parallel_loop3A_412 = arith.constant 0 : i32
        %parallel_loop3A_413 = arith.constant 0 : i32
        %parallel_loop3A_414 = arith.constant 0 : i32
        %parallel_loop3A_415 = arith.constant 0 : i32
        %parallel_loop3A_416 = tpu.memref_slice %arg8[%parallel_loop3A_412, %parallel_loop3A_413, %parallel_loop3A_414, %parallel_loop3A_415] : memref<2x4x8x129xf32, #tpu.memory_space<vmem>> -> memref<1x4x8x129xf32, #tpu.memory_space<vmem>>
        %parallel_loop3A_417 = tpu.memref_squeeze %parallel_loop3A_416 : memref<1x4x8x129xf32, #tpu.memory_space<vmem>> -> memref<4x8x129xf32, #tpu.memory_space<vmem>>
        tpu.vector_store_idx %parallel_loop3A_417[%select_n3A_106, %select_n3A_131, %parallel_loop3A_395], %parallel_loop3A_411 : memref<4x8x129xf32, #tpu.memory_space<vmem>>[vector<16xi32>, vector<16xi32>, vector<16xi32>], vector<16xf32>,
        %parallel_loop3A_418 = arith.constant 1 : i32
        %parallel_loop3A_419 = vector.broadcast %parallel_loop3A_418 : i32 to vector<16xi32>
        %parallel_loop3A_420 = arith.addi %parallel_loop3A_395, %parallel_loop3A_419 : vector<16xi32>
        scf.yield %parallel_loop3A_420 : vector<16xi32>
      } {sc.loop_unroll_factor = 8 : i64, sc.parallel_access}
      %jit3A_231 = arith.constant 4 : i32
      %div3A_232 = arith.divsi %add3A_204, %jit3A_231 : i32
      %sign3A_233 = arith.constant 0 : i32
      %sign3A_234 = arith.cmpi sgt, %add3A_204, %sign3A_233 : i32
      %sign3A_235 = arith.extui %sign3A_234 : i1 to i32
      %sign3A_236 = arith.constant 0 : i32
      %sign3A_237 = arith.cmpi slt, %add3A_204, %sign3A_236 : i32
      %sign3A_238 = arith.extui %sign3A_237 : i1 to i32
      %sign3A_239 = arith.subi %sign3A_235, %sign3A_238 : i32
      %sign3A_240 = arith.constant 0 : i32
      %sign3A_241 = arith.cmpi sgt, %jit3A_231, %sign3A_240 : i32
      %sign3A_242 = arith.extui %sign3A_241 : i1 to i32
      %sign3A_243 = arith.constant 0 : i32
      %sign3A_244 = arith.cmpi slt, %jit3A_231, %sign3A_243 : i32
      %sign3A_245 = arith.extui %sign3A_244 : i1 to i32
      %sign3A_246 = arith.subi %sign3A_242, %sign3A_245 : i32
      %ne3A_247 = arith.cmpi ne, %sign3A_239, %sign3A_246 : i32
      %rem3A_248 = arith.remsi %add3A_204, %jit3A_231 : i32
      %ne3A_249 = arith.constant 0 : i32
      %ne3A_250 = arith.cmpi ne, %rem3A_248, %ne3A_249 : i32
      %and3A_251 = arith.andi %ne3A_247, %ne3A_250 : i1
      %sub3A_252 = arith.constant 1 : i32
      %sub3A_253 = arith.subi %div3A_232, %sub3A_252 : i32
      %select_n3A_254 = arith.select %and3A_251, %sub3A_253, %div3A_232 : i32
      %jit3A_255 = arith.constant 4 : i32
      %eq3A_256 = arith.constant 0 : i32
      %eq3A_257 = arith.cmpi eq, %jit3A_255, %eq3A_256 : i32
      %jit3A_258 = arith.constant 1 : i32
      %select_n3A_259 = arith.select %eq3A_257, %jit3A_258, %jit3A_255 : i32
      %rem3A_260 = arith.remsi %add3A_204, %select_n3A_259 : i32
      %ne3A_261 = arith.constant 0 : i32
      %ne3A_262 = arith.cmpi ne, %rem3A_260, %ne3A_261 : i32
      %lt3A_263 = arith.constant 0 : i32
      %lt3A_264 = arith.cmpi slt, %rem3A_260, %lt3A_263 : i32
      %lt3A_265 = arith.constant 0 : i32
      %lt3A_266 = arith.cmpi slt, %select_n3A_259, %lt3A_265 : i32
      %ne3A_267 = arith.xori %lt3A_264, %lt3A_266 : i1
      %and3A_268 = arith.andi %ne3A_267, %ne3A_262 : i1
      %add3A_269 = arith.addi %rem3A_260, %select_n3A_259 : i32
      %select_n3A_270 = arith.select %and3A_268, %add3A_269, %rem3A_260 : i32
      %add3A_271 = arith.addi %select_n3A, %select_n3A_270 : i32
      %dma_start3A_272 = arith.constant 0 : i32
      %dma_start3A_273 = arith.constant 0 : i32
      %dma_start3A_274 = arith.constant 0 : i32
      %dma_start3A_275 = arith.constant 0 : i32
      %dma_start3A_276 = arith.constant 0 : i32
      %dma_start3A_277 = tpu.memref_slice %arg8[%dma_start3A_272, %dma_start3A_274, %dma_start3A_275, %dma_start3A_276] : memref<2x4x8x129xf32, #tpu.memory_space<vmem>> -> memref<1x4x8x128xf32, #tpu.memory_space<vmem>>
      %dma_start3A_278 = tpu.memref_squeeze %dma_start3A_277 : memref<1x4x8x128xf32, #tpu.memory_space<vmem>> -> memref<4x8x128xf32, #tpu.memory_space<vmem>>
      %dma_start3A_279 = arith.constant 0 : i32
      %dma_start3A_280 = arith.constant 0 : i32
      %dma_start3A_281 = arith.constant 0 : i32
      %dma_start3A_282 = tpu.memref_slice %arg4[%select_n3A_254, %dma_start3A_279, %add3A_271, %dma_start3A_280, %dma_start3A_281] : memref<26x4x128x8x128xf32, #tpu.memory_space<hbm>> -> memref<1x4x1x8x128xf32, #tpu.memory_space<hbm>>
      %dma_start3A_283 = tpu.memref_squeeze %dma_start3A_282 : memref<1x4x1x8x128xf32, #tpu.memory_space<hbm>> -> memref<4x8x128xf32, #tpu.memory_space<hbm>>
      %dma_start3A_284 = tpu.memref_slice %arg10[%dma_start3A_273] : memref<2x!tpu.dma_semaphore, #tpu.memory_space<semaphore_mem>> -> memref<1x!tpu.dma_semaphore, #tpu.memory_space<semaphore_mem>>
      %dma_start3A_285 = tpu.memref_squeeze %dma_start3A_284 : memref<1x!tpu.dma_semaphore, #tpu.memory_space<semaphore_mem>> -> memref<!tpu.dma_semaphore, #tpu.memory_space<semaphore_mem>>
      %dma_start3A_286 = arith.constant 0 : i32
      %dma_start3A_287 = arith.constant 0 : i32
      %dma_start3A_288 = arith.constant 0 : i32
      %dma_start3A_289 = tpu.memref_slice %arg4[%select_n3A_254, %dma_start3A_286, %add3A_271, %dma_start3A_287, %dma_start3A_288] : memref<26x4x128x8x128xf32, #tpu.memory_space<hbm>> -> memref<1x4x1x8x128xf32, #tpu.memory_space<hbm>>
      %dma_start3A_290 = tpu.memref_squeeze %dma_start3A_289 : memref<1x4x1x8x128xf32, #tpu.memory_space<hbm>> -> memref<4x8x128xf32, #tpu.memory_space<hbm>>
      %dma_start3A_291 = arith.constant 0 : i32
      %dma_start3A_292 = arith.constant 0 : i32
      %dma_start3A_293 = arith.constant 0 : i32
      %dma_start3A_294 = tpu.memref_slice %arg8[%dma_start3A_272, %dma_start3A_291, %dma_start3A_292, %dma_start3A_293] : memref<2x4x8x129xf32, #tpu.memory_space<vmem>> -> memref<1x4x8x128xf32, #tpu.memory_space<vmem>>
      %dma_start3A_295 = tpu.memref_squeeze %dma_start3A_294 : memref<1x4x8x128xf32, #tpu.memory_space<vmem>> -> memref<4x8x128xf32, #tpu.memory_space<vmem>>
      tpu.enqueue_dma source(%dma_start3A_295 : memref<4x8x128xf32, #tpu.memory_space<vmem>>) target(%dma_start3A_290 : memref<4x8x128xf32, #tpu.memory_space<hbm>>) target_semaphore(%dma_start3A_285 : memref<!tpu.dma_semaphore, #tpu.memory_space<semaphore_mem>>)
      %mul3A_296 = arith.constant 2 : i32
      %mul3A_297 = arith.muli %mul3A_296, %scan3A_200 : i32
      %add3A_298 = arith.constant 1 : i32
      %add3A_299 = arith.addi %mul3A_297, %add3A_298 : i32
      %add3A_300 = arith.constant 1 : i32
      %add3A_301 = arith.addi %add3A_299, %add3A_300 : i32
      %lt3A_302 = arith.constant 104 : i32
      %lt3A_303 = arith.cmpi slt, %add3A_301, %lt3A_302 : i32
      %convert_element_type3A_304 = arith.extui %lt3A_303 : i1 to i32
      %cond3A_305 = arith.constant 0 : i32
      %cond3A_306 = arith.cmpi ne, %convert_element_type3A_304, %cond3A_305 : i32
      scf.if %cond3A_306 {
        %add3A_394 = arith.constant 1 : i32
        %add3A_395 = arith.addi %add3A_299, %add3A_394 : i32
        %mul3A_396 = arith.constant 128 : i32
        %mul3A_397 = arith.muli %add3A_395, %mul3A_396 : i32
        %dma_start3A_398 = arith.constant 0 : i32
        %dma_start3A_399 = arith.constant 0 : i32
        %dma_start3A_400 = arith.constant 0 : i32
        %dma_start3A_401 = arith.constant 0 : i32
        %dma_start3A_402 = tpu.memref_slice %arg7[%dma_start3A_398, %dma_start3A_400, %dma_start3A_401] : memref<2x128x32xf32, #tpu.memory_space<vmem>> -> memref<1x128x32xf32, #tpu.memory_space<vmem>>
        %dma_start3A_403 = tpu.memref_squeeze %dma_start3A_402 : memref<1x128x32xf32, #tpu.memory_space<vmem>> -> memref<128x32xf32, #tpu.memory_space<vmem>>
        %dma_start3A_404 = tpu.memref_slice %arg6[%mul3A_397] : memref<13312xi32, #tpu.memory_space<vmem>> -> memref<128xi32, #tpu.memory_space<vmem>>
        %dma_start3A_405 = arith.constant 0 : i32
        %dma_start3A_406 = arith.constant 0 : i32
        %dma_start3A_407 = tpu.memref_slice %arg3[%dma_start3A_405, %dma_start3A_406] : memref<1000000x32xf32, #tpu.memory_space<hbm>> -> memref<1000000x32xf32, #tpu.memory_space<hbm>>
        %dma_start3A_408 = tpu.memref_slice %arg9[%dma_start3A_399] : memref<2x!tpu.dma_semaphore, #tpu.memory_space<semaphore_mem>> -> memref<1x!tpu.dma_semaphore, #tpu.memory_space<semaphore_mem>>
        %dma_start3A_409 = tpu.memref_squeeze %dma_start3A_408 : memref<1x!tpu.dma_semaphore, #tpu.memory_space<semaphore_mem>> -> memref<!tpu.dma_semaphore, #tpu.memory_space<semaphore_mem>>
        tpu.enqueue_indirect_dma source(%dma_start3A_407 : memref<1000000x32xf32, #tpu.memory_space<hbm>>) target(%dma_start3A_403 : memref<128x32xf32, #tpu.memory_space<vmem>>) offsets(%dma_start3A_404 : memref<128xi32, #tpu.memory_space<vmem>>) semaphore(%dma_start3A_409 : memref<!tpu.dma_semaphore, #tpu.memory_space<semaphore_mem>>)
      } else {
      }
      %dma_wait3A_307 = arith.constant 1 : i32
      %dma_wait3A_308 = arith.constant 1 : i32
      %dma_wait3A_309 = arith.constant 0 : i32
      %dma_wait3A_310 = arith.constant 0 : i32
      %dma_wait3A_311 = tpu.memref_slice %arg7[%dma_wait3A_307, %dma_wait3A_309, %dma_wait3A_310] : memref<2x128x32xf32, #tpu.memory_space<vmem>> -> memref<1x128x32xf32, #tpu.memory_space<vmem>>
      %dma_wait3A_312 = tpu.memref_squeeze %dma_wait3A_311 : memref<1x128x32xf32, #tpu.memory_space<vmem>> -> memref<128x32xf32, #tpu.memory_space<vmem>>
      %dma_wait3A_313 = arith.constant 0 : i32
      %dma_wait3A_314 = tpu.memref_slice %arg6[%dma_wait3A_313] : memref<13312xi32, #tpu.memory_space<vmem>> -> memref<128xi32, #tpu.memory_space<vmem>>
      %dma_wait3A_315 = arith.constant 0 : i32
      %dma_wait3A_316 = arith.constant 0 : i32
      %dma_wait3A_317 = tpu.memref_slice %arg3[%dma_wait3A_315, %dma_wait3A_316] : memref<1000000x32xf32, #tpu.memory_space<hbm>> -> memref<1000000x32xf32, #tpu.memory_space<hbm>>
      %dma_wait3A_318 = tpu.memref_slice %arg9[%dma_wait3A_308] : memref<2x!tpu.dma_semaphore, #tpu.memory_space<semaphore_mem>> -> memref<1x!tpu.dma_semaphore, #tpu.memory_space<semaphore_mem>>
      %dma_wait3A_319 = tpu.memref_squeeze %dma_wait3A_318 : memref<1x!tpu.dma_semaphore, #tpu.memory_space<semaphore_mem>> -> memref<!tpu.dma_semaphore, #tpu.memory_space<semaphore_mem>>
      tpu.wait_indirect_dma semaphore(%dma_wait3A_319 : memref<!tpu.dma_semaphore, #tpu.memory_space<semaphore_mem>>) src(%dma_wait3A_317 : memref<1000000x32xf32, #tpu.memory_space<hbm>>) dst(%dma_wait3A_312 : memref<128x32xf32, #tpu.memory_space<vmem>>)
      %ge3A_320 = arith.constant 2 : i32
      %ge3A_321 = arith.cmpi sge, %add3A_299, %ge3A_320 : i32
      %convert_element_type3A_322 = arith.extui %ge3A_321 : i1 to i32
      %cond3A_323 = arith.constant 0 : i32
      %cond3A_324 = arith.cmpi ne, %convert_element_type3A_322, %cond3A_323 : i32
      scf.if %cond3A_324 {
        %dma_wait3A_394 = arith.constant 1 : i32
        %dma_wait3A_395 = arith.constant 0 : i32
        %dma_wait3A_396 = arith.constant 0 : i32
        %dma_wait3A_397 = arith.constant 1 : i32
        %dma_wait3A_398 = arith.constant 0 : i32
        %dma_wait3A_399 = arith.constant 0 : i32
        %dma_wait3A_400 = arith.constant 0 : i32
        %dma_wait3A_401 = tpu.memref_slice %arg8[%dma_wait3A_394, %dma_wait3A_398, %dma_wait3A_399, %dma_wait3A_400] : memref<2x4x8x129xf32, #tpu.memory_space<vmem>> -> memref<1x4x8x128xf32, #tpu.memory_space<vmem>>
        %dma_wait3A_402 = tpu.memref_squeeze %dma_wait3A_401 : memref<1x4x8x128xf32, #tpu.memory_space<vmem>> -> memref<4x8x128xf32, #tpu.memory_space<vmem>>
        %dma_wait3A_403 = arith.constant 0 : i32
        %dma_wait3A_404 = arith.constant 0 : i32
        %dma_wait3A_405 = arith.constant 0 : i32
        %dma_wait3A_406 = tpu.memref_slice %arg4[%dma_wait3A_395, %dma_wait3A_403, %dma_wait3A_396, %dma_wait3A_404, %dma_wait3A_405] : memref<26x4x128x8x128xf32, #tpu.memory_space<hbm>> -> memref<1x4x1x8x128xf32, #tpu.memory_space<hbm>>
        %dma_wait3A_407 = tpu.memref_squeeze %dma_wait3A_406 : memref<1x4x1x8x128xf32, #tpu.memory_space<hbm>> -> memref<4x8x128xf32, #tpu.memory_space<hbm>>
        %dma_wait3A_408 = tpu.memref_slice %arg10[%dma_wait3A_397] : memref<2x!tpu.dma_semaphore, #tpu.memory_space<semaphore_mem>> -> memref<1x!tpu.dma_semaphore, #tpu.memory_space<semaphore_mem>>
        %dma_wait3A_409 = tpu.memref_squeeze %dma_wait3A_408 : memref<1x!tpu.dma_semaphore, #tpu.memory_space<semaphore_mem>> -> memref<!tpu.dma_semaphore, #tpu.memory_space<semaphore_mem>>
        %dma_wait3A_410 = arith.constant 0 : i32
        %dma_wait3A_411 = arith.constant 0 : i32
        %dma_wait3A_412 = arith.constant 0 : i32
        %dma_wait3A_413 = tpu.memref_slice %arg4[%dma_wait3A_395, %dma_wait3A_410, %dma_wait3A_396, %dma_wait3A_411, %dma_wait3A_412] : memref<26x4x128x8x128xf32, #tpu.memory_space<hbm>> -> memref<1x4x1x8x128xf32, #tpu.memory_space<hbm>>
        %dma_wait3A_414 = tpu.memref_squeeze %dma_wait3A_413 : memref<1x4x1x8x128xf32, #tpu.memory_space<hbm>> -> memref<4x8x128xf32, #tpu.memory_space<hbm>>
        %dma_wait3A_415 = arith.constant 0 : i32
        %dma_wait3A_416 = arith.constant 0 : i32
        %dma_wait3A_417 = arith.constant 0 : i32
        %dma_wait3A_418 = tpu.memref_slice %arg8[%dma_wait3A_394, %dma_wait3A_415, %dma_wait3A_416, %dma_wait3A_417] : memref<2x4x8x129xf32, #tpu.memory_space<vmem>> -> memref<1x4x8x128xf32, #tpu.memory_space<vmem>>
        %dma_wait3A_419 = tpu.memref_squeeze %dma_wait3A_418 : memref<1x4x8x128xf32, #tpu.memory_space<vmem>> -> memref<4x8x128xf32, #tpu.memory_space<vmem>>
        tpu.wait_dma2 semaphore(%dma_wait3A_409 : memref<!tpu.dma_semaphore, #tpu.memory_space<semaphore_mem>>) src(%dma_wait3A_419 : memref<4x8x128xf32, #tpu.memory_space<vmem>>) dst(%dma_wait3A_414 : memref<4x8x128xf32, #tpu.memory_space<hbm>>)
      } else {
      }
      %parallel_loop3A_325 = arith.constant 0 : i32
      %parallel_loop3A_326 = arith.constant 128 : i32
      %parallel_loop3A_327 = arith.constant 1 : i32
      %parallel_loop3A_328 = scf.for %parallel_loop3A_394 = %parallel_loop3A_325 to %parallel_loop3A_326 step %parallel_loop3A_327 iter_args(%parallel_loop3A_395 = %broadcast_in_dim3A_0) -> (vector<16xi32>)  : i32 {
        %parallel_loop3A_396 = arith.constant 1 : i32
        %parallel_loop3A_397 = arith.index_cast %parallel_loop3A_396 : i32 to index
        %parallel_loop3A_398 = arith.index_cast %parallel_loop3A_394 : i32 to index
        %parallel_loop3A_399 = arith.constant 0 : index
        %parallel_loop3A_400 = tpu.vector_load %arg7[%parallel_loop3A_397, %parallel_loop3A_398, %parallel_loop3A_399] {strides = array<i32>} : memref<2x128x32xf32, #tpu.memory_space<vmem>>, vector<16xf32>,
        %parallel_loop3A_401 = arith.constant 1 : i32
        %parallel_loop3A_402 = arith.constant 0 : i32
        %parallel_loop3A_403 = arith.constant 0 : i32
        %parallel_loop3A_404 = arith.constant 0 : i32
        %parallel_loop3A_405 = tpu.memref_slice %arg8[%parallel_loop3A_401, %parallel_loop3A_402, %parallel_loop3A_403, %parallel_loop3A_404] : memref<2x4x8x129xf32, #tpu.memory_space<vmem>> -> memref<1x4x8x129xf32, #tpu.memory_space<vmem>>
        %parallel_loop3A_406 = tpu.memref_squeeze %parallel_loop3A_405 : memref<1x4x8x129xf32, #tpu.memory_space<vmem>> -> memref<4x8x129xf32, #tpu.memory_space<vmem>>
        tpu.vector_store_idx %parallel_loop3A_406[%select_n3A_52, %select_n3A_72, %parallel_loop3A_395], %parallel_loop3A_400 : memref<4x8x129xf32, #tpu.memory_space<vmem>>[vector<16xi32>, vector<16xi32>, vector<16xi32>], vector<16xf32>,
        %parallel_loop3A_407 = arith.constant 1 : i32
        %parallel_loop3A_408 = arith.index_cast %parallel_loop3A_407 : i32 to index
        %parallel_loop3A_409 = arith.index_cast %parallel_loop3A_394 : i32 to index
        %parallel_loop3A_410 = arith.constant 16 : index
        %parallel_loop3A_411 = tpu.vector_load %arg7[%parallel_loop3A_408, %parallel_loop3A_409, %parallel_loop3A_410] {strides = array<i32>} : memref<2x128x32xf32, #tpu.memory_space<vmem>>, vector<16xf32>,
        %parallel_loop3A_412 = arith.constant 1 : i32
        %parallel_loop3A_413 = arith.constant 0 : i32
        %parallel_loop3A_414 = arith.constant 0 : i32
        %parallel_loop3A_415 = arith.constant 0 : i32
        %parallel_loop3A_416 = tpu.memref_slice %arg8[%parallel_loop3A_412, %parallel_loop3A_413, %parallel_loop3A_414, %parallel_loop3A_415] : memref<2x4x8x129xf32, #tpu.memory_space<vmem>> -> memref<1x4x8x129xf32, #tpu.memory_space<vmem>>
        %parallel_loop3A_417 = tpu.memref_squeeze %parallel_loop3A_416 : memref<1x4x8x129xf32, #tpu.memory_space<vmem>> -> memref<4x8x129xf32, #tpu.memory_space<vmem>>
        tpu.vector_store_idx %parallel_loop3A_417[%select_n3A_106, %select_n3A_131, %parallel_loop3A_395], %parallel_loop3A_411 : memref<4x8x129xf32, #tpu.memory_space<vmem>>[vector<16xi32>, vector<16xi32>, vector<16xi32>], vector<16xf32>,
        %parallel_loop3A_418 = arith.constant 1 : i32
        %parallel_loop3A_419 = vector.broadcast %parallel_loop3A_418 : i32 to vector<16xi32>
        %parallel_loop3A_420 = arith.addi %parallel_loop3A_395, %parallel_loop3A_419 : vector<16xi32>
        scf.yield %parallel_loop3A_420 : vector<16xi32>
      } {sc.loop_unroll_factor = 8 : i64, sc.parallel_access}
      %jit3A_329 = arith.constant 4 : i32
      %div3A_330 = arith.divsi %add3A_299, %jit3A_329 : i32
      %sign3A_331 = arith.constant 0 : i32
      %sign3A_332 = arith.cmpi sgt, %add3A_299, %sign3A_331 : i32
      %sign3A_333 = arith.extui %sign3A_332 : i1 to i32
      %sign3A_334 = arith.constant 0 : i32
      %sign3A_335 = arith.cmpi slt, %add3A_299, %sign3A_334 : i32
      %sign3A_336 = arith.extui %sign3A_335 : i1 to i32
      %sign3A_337 = arith.subi %sign3A_333, %sign3A_336 : i32
      %sign3A_338 = arith.constant 0 : i32
      %sign3A_339 = arith.cmpi sgt, %jit3A_329, %sign3A_338 : i32
      %sign3A_340 = arith.extui %sign3A_339 : i1 to i32
      %sign3A_341 = arith.constant 0 : i32
      %sign3A_342 = arith.cmpi slt, %jit3A_329, %sign3A_341 : i32
      %sign3A_343 = arith.extui %sign3A_342 : i1 to i32
      %sign3A_344 = arith.subi %sign3A_340, %sign3A_343 : i32
      %ne3A_345 = arith.cmpi ne, %sign3A_337, %sign3A_344 : i32
      %rem3A_346 = arith.remsi %add3A_299, %jit3A_329 : i32
      %ne3A_347 = arith.constant 0 : i32
      %ne3A_348 = arith.cmpi ne, %rem3A_346, %ne3A_347 : i32
      %and3A_349 = arith.andi %ne3A_345, %ne3A_348 : i1
      %sub3A_350 = arith.constant 1 : i32
      %sub3A_351 = arith.subi %div3A_330, %sub3A_350 : i32
      %select_n3A_352 = arith.select %and3A_349, %sub3A_351, %div3A_330 : i32
      %jit3A_353 = arith.constant 4 : i32
      %eq3A_354 = arith.constant 0 : i32
      %eq3A_355 = arith.cmpi eq, %jit3A_353, %eq3A_354 : i32
      %jit3A_356 = arith.constant 1 : i32
      %select_n3A_357 = arith.select %eq3A_355, %jit3A_356, %jit3A_353 : i32
      %rem3A_358 = arith.remsi %add3A_299, %select_n3A_357 : i32
      %ne3A_359 = arith.constant 0 : i32
      %ne3A_360 = arith.cmpi ne, %rem3A_358, %ne3A_359 : i32
      %lt3A_361 = arith.constant 0 : i32
      %lt3A_362 = arith.cmpi slt, %rem3A_358, %lt3A_361 : i32
      %lt3A_363 = arith.constant 0 : i32
      %lt3A_364 = arith.cmpi slt, %select_n3A_357, %lt3A_363 : i32
      %ne3A_365 = arith.xori %lt3A_362, %lt3A_364 : i1
      %and3A_366 = arith.andi %ne3A_365, %ne3A_360 : i1
      %add3A_367 = arith.addi %rem3A_358, %select_n3A_357 : i32
      %select_n3A_368 = arith.select %and3A_366, %add3A_367, %rem3A_358 : i32
      %add3A_369 = arith.addi %select_n3A, %select_n3A_368 : i32
      %dma_start3A_370 = arith.constant 1 : i32
      %dma_start3A_371 = arith.constant 1 : i32
      %dma_start3A_372 = arith.constant 0 : i32
      %dma_start3A_373 = arith.constant 0 : i32
      %dma_start3A_374 = arith.constant 0 : i32
      %dma_start3A_375 = tpu.memref_slice %arg8[%dma_start3A_370, %dma_start3A_372, %dma_start3A_373, %dma_start3A_374] : memref<2x4x8x129xf32, #tpu.memory_space<vmem>> -> memref<1x4x8x128xf32, #tpu.memory_space<vmem>>
      %dma_start3A_376 = tpu.memref_squeeze %dma_start3A_375 : memref<1x4x8x128xf32, #tpu.memory_space<vmem>> -> memref<4x8x128xf32, #tpu.memory_space<vmem>>
      %dma_start3A_377 = arith.constant 0 : i32
      %dma_start3A_378 = arith.constant 0 : i32
      %dma_start3A_379 = arith.constant 0 : i32
      %dma_start3A_380 = tpu.memref_slice %arg4[%select_n3A_352, %dma_start3A_377, %add3A_369, %dma_start3A_378, %dma_start3A_379] : memref<26x4x128x8x128xf32, #tpu.memory_space<hbm>> -> memref<1x4x1x8x128xf32, #tpu.memory_space<hbm>>
      %dma_start3A_381 = tpu.memref_squeeze %dma_start3A_380 : memref<1x4x1x8x128xf32, #tpu.memory_space<hbm>> -> memref<4x8x128xf32, #tpu.memory_space<hbm>>
      %dma_start3A_382 = tpu.memref_slice %arg10[%dma_start3A_371] : memref<2x!tpu.dma_semaphore, #tpu.memory_space<semaphore_mem>> -> memref<1x!tpu.dma_semaphore, #tpu.memory_space<semaphore_mem>>
      %dma_start3A_383 = tpu.memref_squeeze %dma_start3A_382 : memref<1x!tpu.dma_semaphore, #tpu.memory_space<semaphore_mem>> -> memref<!tpu.dma_semaphore, #tpu.memory_space<semaphore_mem>>
      %dma_start3A_384 = arith.constant 0 : i32
      %dma_start3A_385 = arith.constant 0 : i32
      %dma_start3A_386 = arith.constant 0 : i32
      %dma_start3A_387 = tpu.memref_slice %arg4[%select_n3A_352, %dma_start3A_384, %add3A_369, %dma_start3A_385, %dma_start3A_386] : memref<26x4x128x8x128xf32, #tpu.memory_space<hbm>> -> memref<1x4x1x8x128xf32, #tpu.memory_space<hbm>>
      %dma_start3A_388 = tpu.memref_squeeze %dma_start3A_387 : memref<1x4x1x8x128xf32, #tpu.memory_space<hbm>> -> memref<4x8x128xf32, #tpu.memory_space<hbm>>
      %dma_start3A_389 = arith.constant 0 : i32
      %dma_start3A_390 = arith.constant 0 : i32
      %dma_start3A_391 = arith.constant 0 : i32
      %dma_start3A_392 = tpu.memref_slice %arg8[%dma_start3A_370, %dma_start3A_389, %dma_start3A_390, %dma_start3A_391] : memref<2x4x8x129xf32, #tpu.memory_space<vmem>> -> memref<1x4x8x128xf32, #tpu.memory_space<vmem>>
      %dma_start3A_393 = tpu.memref_squeeze %dma_start3A_392 : memref<1x4x8x128xf32, #tpu.memory_space<vmem>> -> memref<4x8x128xf32, #tpu.memory_space<vmem>>
      tpu.enqueue_dma source(%dma_start3A_393 : memref<4x8x128xf32, #tpu.memory_space<vmem>>) target(%dma_start3A_388 : memref<4x8x128xf32, #tpu.memory_space<hbm>>) target_semaphore(%dma_start3A_383 : memref<!tpu.dma_semaphore, #tpu.memory_space<semaphore_mem>>)
    }
    %scan3A_148 = arith.constant 52 : i32
    %dma_wait3A = arith.constant 0 : i32
    %dma_wait3A_149 = arith.constant 0 : i32
    %dma_wait3A_150 = arith.constant 0 : i32
    %dma_wait3A_151 = arith.constant 0 : i32
    %dma_wait3A_152 = arith.constant 0 : i32
    %dma_wait3A_153 = arith.constant 0 : i32
    %dma_wait3A_154 = arith.constant 0 : i32
    %dma_wait3A_155 = tpu.memref_slice %arg8[%dma_wait3A, %dma_wait3A_152, %dma_wait3A_153, %dma_wait3A_154] : memref<2x4x8x129xf32, #tpu.memory_space<vmem>> -> memref<1x4x8x128xf32, #tpu.memory_space<vmem>>
    %dma_wait3A_156 = tpu.memref_squeeze %dma_wait3A_155 : memref<1x4x8x128xf32, #tpu.memory_space<vmem>> -> memref<4x8x128xf32, #tpu.memory_space<vmem>>
    %dma_wait3A_157 = arith.constant 0 : i32
    %dma_wait3A_158 = arith.constant 0 : i32
    %dma_wait3A_159 = arith.constant 0 : i32
    %dma_wait3A_160 = tpu.memref_slice %arg4[%dma_wait3A_149, %dma_wait3A_157, %dma_wait3A_150, %dma_wait3A_158, %dma_wait3A_159] : memref<26x4x128x8x128xf32, #tpu.memory_space<hbm>> -> memref<1x4x1x8x128xf32, #tpu.memory_space<hbm>>
    %dma_wait3A_161 = tpu.memref_squeeze %dma_wait3A_160 : memref<1x4x1x8x128xf32, #tpu.memory_space<hbm>> -> memref<4x8x128xf32, #tpu.memory_space<hbm>>
    %dma_wait3A_162 = tpu.memref_slice %arg10[%dma_wait3A_151] : memref<2x!tpu.dma_semaphore, #tpu.memory_space<semaphore_mem>> -> memref<1x!tpu.dma_semaphore, #tpu.memory_space<semaphore_mem>>
    %dma_wait3A_163 = tpu.memref_squeeze %dma_wait3A_162 : memref<1x!tpu.dma_semaphore, #tpu.memory_space<semaphore_mem>> -> memref<!tpu.dma_semaphore, #tpu.memory_space<semaphore_mem>>
    %dma_wait3A_164 = arith.constant 0 : i32
    %dma_wait3A_165 = arith.constant 0 : i32
    %dma_wait3A_166 = arith.constant 0 : i32
    %dma_wait3A_167 = tpu.memref_slice %arg4[%dma_wait3A_149, %dma_wait3A_164, %dma_wait3A_150, %dma_wait3A_165, %dma_wait3A_166] : memref<26x4x128x8x128xf32, #tpu.memory_space<hbm>> -> memref<1x4x1x8x128xf32, #tpu.memory_space<hbm>>
    %dma_wait3A_168 = tpu.memref_squeeze %dma_wait3A_167 : memref<1x4x1x8x128xf32, #tpu.memory_space<hbm>> -> memref<4x8x128xf32, #tpu.memory_space<hbm>>
    %dma_wait3A_169 = arith.constant 0 : i32
    %dma_wait3A_170 = arith.constant 0 : i32
    %dma_wait3A_171 = arith.constant 0 : i32
    %dma_wait3A_172 = tpu.memref_slice %arg8[%dma_wait3A, %dma_wait3A_169, %dma_wait3A_170, %dma_wait3A_171] : memref<2x4x8x129xf32, #tpu.memory_space<vmem>> -> memref<1x4x8x128xf32, #tpu.memory_space<vmem>>
    %dma_wait3A_173 = tpu.memref_squeeze %dma_wait3A_172 : memref<1x4x8x128xf32, #tpu.memory_space<vmem>> -> memref<4x8x128xf32, #tpu.memory_space<vmem>>
    tpu.wait_dma2 semaphore(%dma_wait3A_163 : memref<!tpu.dma_semaphore, #tpu.memory_space<semaphore_mem>>) src(%dma_wait3A_173 : memref<4x8x128xf32, #tpu.memory_space<vmem>>) dst(%dma_wait3A_168 : memref<4x8x128xf32, #tpu.memory_space<hbm>>)
    %dma_wait3A_174 = arith.constant 1 : i32
    %dma_wait3A_175 = arith.constant 0 : i32
    %dma_wait3A_176 = arith.constant 0 : i32
    %dma_wait3A_177 = arith.constant 1 : i32
    %dma_wait3A_178 = arith.constant 0 : i32
    %dma_wait3A_179 = arith.constant 0 : i32
    %dma_wait3A_180 = arith.constant 0 : i32
    %dma_wait3A_181 = tpu.memref_slice %arg8[%dma_wait3A_174, %dma_wait3A_178, %dma_wait3A_179, %dma_wait3A_180] : memref<2x4x8x129xf32, #tpu.memory_space<vmem>> -> memref<1x4x8x128xf32, #tpu.memory_space<vmem>>
    %dma_wait3A_182 = tpu.memref_squeeze %dma_wait3A_181 : memref<1x4x8x128xf32, #tpu.memory_space<vmem>> -> memref<4x8x128xf32, #tpu.memory_space<vmem>>
    %dma_wait3A_183 = arith.constant 0 : i32
    %dma_wait3A_184 = arith.constant 0 : i32
    %dma_wait3A_185 = arith.constant 0 : i32
    %dma_wait3A_186 = tpu.memref_slice %arg4[%dma_wait3A_175, %dma_wait3A_183, %dma_wait3A_176, %dma_wait3A_184, %dma_wait3A_185] : memref<26x4x128x8x128xf32, #tpu.memory_space<hbm>> -> memref<1x4x1x8x128xf32, #tpu.memory_space<hbm>>
    %dma_wait3A_187 = tpu.memref_squeeze %dma_wait3A_186 : memref<1x4x1x8x128xf32, #tpu.memory_space<hbm>> -> memref<4x8x128xf32, #tpu.memory_space<hbm>>
    %dma_wait3A_188 = tpu.memref_slice %arg10[%dma_wait3A_177] : memref<2x!tpu.dma_semaphore, #tpu.memory_space<semaphore_mem>> -> memref<1x!tpu.dma_semaphore, #tpu.memory_space<semaphore_mem>>
    %dma_wait3A_189 = tpu.memref_squeeze %dma_wait3A_188 : memref<1x!tpu.dma_semaphore, #tpu.memory_space<semaphore_mem>> -> memref<!tpu.dma_semaphore, #tpu.memory_space<semaphore_mem>>
    %dma_wait3A_190 = arith.constant 0 : i32
    %dma_wait3A_191 = arith.constant 0 : i32
    %dma_wait3A_192 = arith.constant 0 : i32
    %dma_wait3A_193 = tpu.memref_slice %arg4[%dma_wait3A_175, %dma_wait3A_190, %dma_wait3A_176, %dma_wait3A_191, %dma_wait3A_192] : memref<26x4x128x8x128xf32, #tpu.memory_space<hbm>> -> memref<1x4x1x8x128xf32, #tpu.memory_space<hbm>>
    %dma_wait3A_194 = tpu.memref_squeeze %dma_wait3A_193 : memref<1x4x1x8x128xf32, #tpu.memory_space<hbm>> -> memref<4x8x128xf32, #tpu.memory_space<hbm>>
    %dma_wait3A_195 = arith.constant 0 : i32
    %dma_wait3A_196 = arith.constant 0 : i32
    %dma_wait3A_197 = arith.constant 0 : i32
    %dma_wait3A_198 = tpu.memref_slice %arg8[%dma_wait3A_174, %dma_wait3A_195, %dma_wait3A_196, %dma_wait3A_197] : memref<2x4x8x129xf32, #tpu.memory_space<vmem>> -> memref<1x4x8x128xf32, #tpu.memory_space<vmem>>
    %dma_wait3A_199 = tpu.memref_squeeze %dma_wait3A_198 : memref<1x4x8x128xf32, #tpu.memory_space<vmem>> -> memref<4x8x128xf32, #tpu.memory_space<vmem>>
    tpu.wait_dma2 semaphore(%dma_wait3A_189 : memref<!tpu.dma_semaphore, #tpu.memory_space<semaphore_mem>>) src(%dma_wait3A_199 : memref<4x8x128xf32, #tpu.memory_space<vmem>>) dst(%dma_wait3A_194 : memref<4x8x128xf32, #tpu.memory_space<hbm>>)
    return
  }
}

</mosaic_0001>

<sc_bundles>
// kernel: kernel.3.cloned.1.call-start
scs
__scs_entry_jumppad:
0x0: {  	(pc) =	sbr.rel $0x88, $3  }
0x1: {  	(tag) =	ssettag $0x0;
	lr =	simm.s32 $0x1  }
0x2: {  	[smem:$0x3F9F] =	sst lr;
	_ =	strace $0xD0000000  }
0x3: {  	_ = 	snop  }
0x4: {  	_ = 	snop  }
0x5: {  	_ = 	snop  }
0x6: {  	_ = 	snop  }
0x7: {  	_ = 	snop  }
__scs_overlays_trampoline_lowered:
0x8: {  	[smem:$0x3FAE] =	sst s0  }
0x9: {  	[smem:$0x3FAF] =	sst s1  }
0xa: {  	[smem:$0x3FB0] =	sst s2  }
0xb: {  	[smem:$0x3FB1] =	sst s3  }
0xc: {  	[smem:$0x3FB2] =	sst s4  }
0xd: {  	[smem:$0x3FB3] =	sst s5  }
0xe: {  	[smem:$0x3FB4] =	sst s6  }
0xf: {  	[smem:$0x3FB5] =	sst s7  }
0x10: {  	[smem:$0x3FB6] =	sst s8  }
0x11: {  	[smem:$0x3FB7] =	sst s9;
	s0 =	simm.s32 @!p0 $0x0  }
0x12: {  	s1 =	sld [smem:$0x3F9D];
	s0 =	simm.s32 @p0 $0x1  }
0x13: {  	[smem:$0x3FB8] =	sst s0;
	s0 =	simm.s32 @!p1 $0x0  }
0x14: {  	s2 =	sld [smem:$0x3F9C];
	s0 =	simm.s32 @p1 $0x1  }
0x15: {  	[smem:$0x3FB9] =	sst s0;
	s0 =	simm.s32 @!p2 $0x0  }
0x16: {  	s3 =	sld [smem:$0x3FDB];
	s0 =	simm.s32 @p2 $0x1  }
0x17: {  	s4 =	simm.s32 $0x1BF5;
	[smem:$0x3FBB] =	sst s0  }
0x18: {  	s0 =	sld [smem:$0x3F9E];
	_ =	swait.ge [sflag:s4], $0x0  }
0x19: {  	s7 =	sld [smem:$0x3F9F]  }
0x1a: {  	s8 =	sadd.s32 $0xFFFFE003, lr  }
0x1b: {  	s9 =	sadd.s32 $0xFFFFFEF7, lr;
	s5 =	simm.s32 $0xFFFFFFFF;
	p2 =	slt.u32 s8, $0xFFFFF086  }
0x1c: {  	p1 =	slt.u32 s9, $0xF7A;
	s5 =	simm.s32 @!p2 $0x0  }
0x1d: {  	s5 =	simm.s32 @p1 $0x1;
	p0 =	seq.s32 s7, s2  }
0x1e: {  	s7 =	smul.u32 @!p0 $0xF7A, s2;
	p2 =	seq.s32 @!p0 s5, $0x0  }
0x1f: {  	s9 =	smul.u32 $0xF7A, s1;
	s8 =	simm.s32 @!p0 $0x1BF5;
	p2 =	por !p2, p0  }
0x20: {  	[sflag:s8] =	ssyncset.s32 @!p0 $0xFFFFF086;
	s6 =	sadd.s32 @!p0 s3, s7;
	s7 =	simm.s32 @!p0 $0x108  }
0x21: {  	s3 =	sadd.s32 s3, s9;
	s6 =	sadd.s32 @!p0 $0x88, s6;
	s7 =	simm.s32 @p2 $0x1082  }
0x22: {  	[simem:s7], [sflag:s8] =	dma.local @!p0 [hbm:s6], $0xF7A  }
0x23: {  	s9 =	sor.u32 $0xD0000000, s2;
	s6 =	simm.s32 $0x108;
	_ =	swait.ge @!p0 [sflag:s8], $0x0  }
0x24: {  	s3 =	sadd.s32 $0x88, s3;
	s6 =	simm.s32 @!p1 $0x1082;
	[sflag:s4] =	ssyncset.s32 $0xFFFFF086  }
0x25: {  	[simem:s6], [sflag:s4] =	dma.local [hbm:s3], $0xF7A  }
0x26: {  	[smem:$0x3F9F] =	sst s1;
	(tag) =	ssettag s2;
	_ =	strace s9  }
0x27: {  	s1 =	sld [smem:$0x3FAF]  }
0x28: {  	s2 =	sld [smem:$0x3FB0]  }
0x29: {  	s4 =	sld [smem:$0x3FB2]  }
0x2a: {  	p0 =	seq.s32 s5, $0x0;
	s5 =	sld [smem:$0x3FB3]  }
0x2b: {  	s6 =	sld [smem:$0x3FB4]  }
0x2c: {  	s7 =	sld [smem:$0x3FB5]  }
0x2d: {  	s3 =	simm.s32 $0x108;
	s8 =	sld [smem:$0x3FB6]  }
0x2e: {  	s3 =	simm.s32 @!p0 $0x1082;
	s9 =	sld [smem:$0x3FB7]  }
0x2f: {  	lr =	sadd.s32 s0, s3;
	s0 =	sld [smem:$0x3FAE]  }
0x30: {  	s3 =	sld [smem:$0x3FB1]  }
0x31: {  	[smem:$0x3FBA] =	sst s10  }
0x32: {  	s10 =	sld [smem:$0x3FB8];
	_ =	sdelay $0x3  }
0x33: {  	p0 =	seq.s32 s10, $0x1;
	s10 =	sld [smem:$0x3FBA];
	_ =	sdelay $0x3  }
0x34: {  	[smem:$0x3FBA] =	sst s10  }
0x35: {  	s10 =	sld [smem:$0x3FB9];
	_ =	sdelay $0x3  }
0x36: {  	p1 =	seq.s32 s10, $0x1;
	s10 =	sld [smem:$0x3FBA];
	_ =	sdelay $0x3  }
0x37: {  	[smem:$0x3FBA] =	sst s10  }
0x38: {  	s10 =	sld [smem:$0x3FBB]  }
0x39: {  	_ = 	snop;
	(pc) =	sbr.ind lr, $3  }
0x3a: {  	_ = 	snop  }
0x3b: {  	_ = 	snop  }
0x3c: {  	p2 =	seq.s32 s10, $0x1;
	s10 =	sld [smem:$0x3FBA]  }
0x3d: {  	_ =	shalt  }
0x3e: {  	_ =	shalt  }
0x3f: {  	_ =	shalt  }
0x40: {  	_ =	shalt  }
0x41: {  	_ =	shalt  }
0x42: {  	_ =	shalt  }
0x43: {  	_ =	shalt  }
0x44: {  	_ =	shalt  }
0x45: {  	_ =	shalt  }
0x46: {  	_ =	shalt  }
0x47: {  	_ =	shalt  }
0x48: {  	_ =	shalt  }
0x49: {  	_ =	shalt  }
0x4a: {  	_ =	shalt  }
0x4b: {  	_ =	shalt  }
0x4c: {  	_ =	shalt  }
0x4d: {  	_ =	shalt  }
0x4e: {  	_ =	shalt  }
0x4f: {  	_ =	shalt  }
0x50: {  	_ =	shalt  }
0x51: {  	_ =	shalt  }
0x52: {  	_ =	shalt  }
0x53: {  	_ =	shalt  }
0x54: {  	_ =	shalt  }
0x55: {  	_ =	shalt  }
0x56: {  	_ =	shalt  }
0x57: {  	_ =	shalt  }
0x58: {  	_ =	shalt  }
0x59: {  	_ =	shalt  }
0x5a: {  	_ =	shalt  }
0x5b: {  	_ =	shalt  }
0x5c: {  	_ =	shalt  }
0x5d: {  	_ =	shalt  }
0x5e: {  	_ =	shalt  }
0x5f: {  	_ =	shalt  }
0x60: {  	_ =	shalt  }
0x61: {  	_ =	shalt  }
0x62: {  	_ =	shalt  }
0x63: {  	_ =	shalt  }
0x64: {  	_ =	shalt  }
0x65: {  	_ =	shalt  }
0x66: {  	_ =	shalt  }
0x67: {  	_ =	shalt  }
0x68: {  	_ =	shalt  }
0x69: {  	_ =	shalt  }
0x6a: {  	_ =	shalt  }
0x6b: {  	_ =	shalt  }
0x6c: {  	_ =	shalt  }
0x6d: {  	_ =	shalt  }
0x6e: {  	_ =	shalt  }
0x6f: {  	_ =	shalt  }
0x70: {  	_ =	shalt  }
0x71: {  	_ =	shalt  }
0x72: {  	_ =	shalt  }
0x73: {  	_ =	shalt  }
0x74: {  	_ =	shalt  }
0x75: {  	_ =	shalt  }
0x76: {  	_ =	shalt  }
0x77: {  	_ =	shalt  }
0x78: {  	_ =	shalt  }
0x79: {  	_ =	shalt  }
0x7a: {  	_ =	shalt  }
0x7b: {  	_ =	shalt  }
0x7c: {  	_ =	shalt  }
0x7d: {  	_ =	shalt  }
0x7e: {  	_ =	shalt  }
0x7f: {  	_ =	shalt  }
0x80: {  	_ =	shalt  }
0x81: {  	_ =	shalt  }
0x82: {  	_ =	shalt  }
0x83: {  	_ =	shalt  }
0x84: {  	_ =	shalt  }
0x85: {  	_ =	shalt  }
0x86: {  	_ =	shalt  }
0x87: {  	_ =	shalt  }
.Lfunc_end0:
.L_simem_size_0:
called_computation_lowered:
.L_overlay_start_0:
0x88: {  	s2 =	sld [smem:$0x3FD9]  }
0x89: {  	s3 =	sld [smem:$0x3FFE];
	_ =	sdelay $0x1  }
0x8a: {  	s1 =	srdreg.scid  }
0x8b: {  	s0 =	sand.u32 $0x1, s1  }
0x8c: {  	s17 =	sshll.u32 s0, $0xA;
	s2 =	sadd.s32 s3, s2  }
0x8d: {  	s2 =	sadd.s32 s2, s17  }
0x8e: {  	[smem:$0x3FC6] =	sst s2  }
0x8f: {  	_ = 	snop  }
0x90: {  	s2 =	sld [smem:$0x3FD0];
	(tm) =	ssettm $0x1  }
0x91: {  	s18 =	sld [smem:$0x3FFB];
	_ =	sdelay $0x3  }
0x92: {  	_ =	strace s18  }
0x93: {  	s3 =	sld [smem:$0x3FFC];
	_ =	sdelay $0x3  }
0x94: {  	_ =	strace s3  }
0x95: {  	s3 =	sld [smem:$0x3FFD];
	_ =	sdelay $0x3  }
0x96: {  	_ =	strace s3  }
0x97: {  	_ =	strace $0x8FFFFFFF  }
0x98: {  	s19 =	sld [smem:$0x3FDB];
	_ =	sdelay $0x1  }
0x99: {  	s4 =	simm.s32 $_scs_section_size  }
0x9a: {  	s5 =	simm.s32 $_size__tile_overlayer_lowered;
	s6 =	simm.s32 $_tile_overlayer_lowered  }
0x9b: {  	s22 =	simm.s32 $0x1BFF;
	s21 =	sshll.u32 s6, $0x1;
	s3 =	sadd.s32 s4, s19  }
0x9c: {  	s7 =	simm.s32 $0x0;
	s20 =	sshll.u32 s5, $0x1;
	s5 =	sadd.s32 s21, s3  }
0x9d: {  	[timem:s7], [sflag:s22] =	dma.local [hbm:s5], s20  }
0x9e: {  	_ =	swait.ge [sflag:s22], s20  }
0x9f: {  	s4 =	ssub.s32 $0x0, s20;
	[sflag:s22] =	ssyncset.done $0x0  }
0xa0: {  	[sflag:s22] =	ssyncadd.s32 s4;
	_ =	sdelay $0x1  }
0xa1: {  	s23 =	simm.s32 $0x1B8B  }
0xa2: {  	_ =	swait.ge [sflag:s23], $0x1  }
0xa3: {  	[sflag:s23] =	ssyncset.done $0x0  }
0xa4: {  	s25 =	simm.s32 $0x1B8E;
	s24 =	sld [smem:$0x3FFE];
	[sflag:s23] =	ssyncadd.s32 $0xFFFFFFFF  }
0xa5: {  	s26 =	simm.s32 $execute0_lowered;
	[smem:$0x3FD2] =	sst s25  }
0xa6: {  	s5 =	sshll.u32 s26, $0x1;
	_ =	strace $0x80000046;
	[dreg:$0x1] =	wrdreg $0xFFFFFFFF  }
0xa7: {  	s28 =	simm.s32 $_size_execute0_lowered;
	s3 =	sadd.s32 s3, s5;
	[dreg:$0x0] =	wrdreg $0x0  }
0xa8: {  	s5 =	sshll.u32 s28, $0x1;
	[dreg:$0x2] =	wrdreg s3  }
0xa9: {  	[dreg:$0x3] =	wrdreg s5  }
0xaa: {  	[dreg:$0x4] =	wrdreg $0xC0  }
0xab: {  	_ =	task [dreg:s7], $0x5FFFF  }
0xac: {  	[dreg:$0x1] =	wrdreg $0xFFFFFFFF  }
0xad: {  	[dreg:$0x0] =	wrdreg $0x60  }
0xae: {  	[dreg:$0x2] =	wrdreg s24  }
0xaf: {  	[dreg:$0x3] =	wrdreg s2  }
0xb0: {  	[dreg:$0x4] =	wrdreg $0x9  }
0xb1: {  	_ =	task.clear_ibuf [dreg:s7], $0x5FFFF;
	_ =	strace $0x90000046  }
0xb2: {  	s29 =	simm.s32 $0x9;
	_ =	strace $0x80000048  }
0xb3: {  	_ =	swait.ge [sflag:s29], $0x1  }
0xb4: {  	[sflag:s29] =	ssyncadd.s32 $0xFFFFFFFF  }
0xb5: {  	_ =	strace $0x90000048  }
0xb6: {  	_ =	sfence  }
0xb7: {  	s30 =	sld [smem:$0x0];
	_ =	sdelay $0x2  }
0xb8: {  	s31 =	sshll.u32 s1, $0xD;
	s1 =	sshrl.u32 s1, $0x2  }
0xb9: {  	s3 =	sand.u32 $0x4000, s31;
	s1 =	sadd.s32 s1, s30  }
0xba: {  	s0 =	sor.u32 s3, s0;
	s1 =	sshll.u32 s1, $0x11  }
0xbb: {  	s0 =	sor.u32 s1, s0  }
0xbc: {  	s0 =	sadd.s32 $0x8F2B, s0  }
0xbd: {  	[sflag:s0] =	ssyncadd.remote.s32 $0x1  }
0xbe: {  	_ =	sfence.sel $0xFFFF  }
0xbf: {  	[dreg:$0x0] =	wrdreg $0xFFFFFFFF;
	(pc) =	sbr.abs _section_cstart, $3  }
0xc0: {  	[dreg:$0x1] =	wrdreg $0xFFFFFFFF  }
0xc1: {  	_ =	task.clear_ibuf [dreg:s7], $0x2FFFF;
	_ =	strace $0x9FFFFFFF  }
0xc2: {  	(tm) =	ssettm $0x7FFFFFFF  }
0xc3: {  	_ =	shalt  }
tec
execute0_lowered:
.L_overlay_start_1:
0x0: {  	(tag) =	ssettag $0x1  }
0x1: {  	s0 =	rddreg [dreg:$0x0]  }
0x2: {  	s1 =	srdreg.scid;
	s2 =	stileid.u32  }
0x3: {  	s3 =	simm.s32 $0x0;
	s9 =	simm.s32 $0x80;
	s13 =	simm.s32 $0x1  }
0x4: {  	s14 =	simm.s32 $0x9400;
	s21 =	simm.s32 $0x2;
	s22 =	simm.s32 $0x4  }
0x5: {  	s23 =	simm.s32 $0xA500;
	s19 =	simm.s32 $0xB028;
	s20 =	simm.s32 $0xB0B0  }
0x6: {  	s24 =	simm.s32 $0xB138;
	s28 =	simm.s32 $0xB2D0;
	s29 =	simm.s32 $0xB358  }
0x7: {  	v1 =	vlaneseq.u32;
	s30 =	simm.s32 $0xB3E0;
	s31 =	simm.s32 $0xB468;
	s1 =	sand.u32 $0x1, s1  }
0x8: {  	s2 =	sshll.u32 s2, $0xA;
	[smem:$0x7FF] =	sst s3;
	v0 =	vmul.u32 $0x88, v1;
	s4 =	sshll.u32 s1, $0x9  }
0x9: {  	v1 =	vmul.u32 $0x20, v1;
	_ =	strace $0x80000047;
	s1 =	ssub.s32 $0x2, s1;
	s2 =	sor.u32 s4, s2  }
0xa: {  	s25 =	sshrl.u32 s1, $0x1;
	v2 =	vadd.s32 $0x880, v0;
	v3 =	vor.u32 $0x1, v0;
	v4 =	vadd.s32 $0x881, v0;
	s4 =	sshll.u32 s2, $0x2;
	s5 =	sshrl.u32 s2, $0x7  }
0xb: {  	v5 =	vor.u32 $0x2, v0;
	v6 =	vadd.s32 $0x882, v0;
	v7 =	vor.u32 $0x3, v0;
	s6 =	sadd.s32 s4, s0;
	s4 =	sadd.s32 $0xF42A00, s0;
	s0 =	ssub.s32 s1, s25  }
0xc: {  	v8 =	vadd.s32 $0x883, v0;
	v9 =	vor.u32 $0x4, v0;
	v10 =	vadd.s32 $0x884, v0;
	s25 =	simm.s32 $0xB1C0;
	s1 =	simm.s32 $0xB578;
	s26 =	sadd.s32 $0x600, s6  }
0xd: {  	v11 =	vor.u32 $0x5, v0;
	v12 =	vadd.s32 $0x885, v0;
	v13 =	vor.u32 $0x6, v0;
	s0 =	smax.u32 s0, $0x1;
	s6 =	simm.s32 $0x0;
	[dreg:$0x3] =	wrdreg s26  }
0xe: {  	v14 =	vadd.s32 $0x886, v0;
	v15 =	vor.u32 $0x7, v0;
	v16 =	vadd.s32 $0x887, v0;
	[dreg:$0x4] =	wrdreg s0;
	s26 =	simm.s32 $0xB248;
	s0 =	simm.s32 $0xB4F0  }
.LBB2_1:
0xf: {  	[dreg:$0x5] =	wrdreg s6;
	s2 =	simm.s32 $0x70;
	s16 =	simm.s32 $0x0  }
0x10: {  	s7 =	simm.s32 $0x0;
	s17 =	simm.s32 $0x10;
	s11 =	simm.s32 $0x50;
	v17 =	vmov s16  }
0x11: {  	s2 =	sand.u32 $0x1F0, s2;
	s6 =	sand.u32 $0x190, s17;
	s12 =	sand.u32 $0x1D0, s11;
	v17 =	vand.u32 $0x1F, v17  }
0x12: {  	s18 =	simm.s32 $0x40;
	s7 =	sand.u32 $0x180, s7;
	v18 =	vmov s2;
	v19 =	vmov s6;
	v24 =	vmov s12  }
0x13: {  	s10 =	simm.s32 $0x30;
	s2 =	sand.u32 $0x1C0, s18;
	v20 =	vbroadcast v17, $0x0;
	v17 =	vshll.u32 v18, $0x5;
	v18 =	vmov s7  }
0x14: {  	s7 =	sand.u32 $0x1B0, s10;
	v23 =	vmov s2;
	v19 =	vshll.u32 v19, $0x5;
	v24 =	vshll.u32 v24, $0x5  }
0x15: {  	s8 =	simm.s32 $0x20;
	s10 =	simm.s32 $0x60;
	v17 =	vor.u32 v1, v17;
	v22 =	vmov s7;
	v18 =	vshll.u32 v18, $0x5  }
0x16: {  	s8 =	sand.u32 $0x1A0, s8;
	s16 =	rddreg [dreg:$0x3];
	s15 =	sand.u32 $0x1E0, s10;
	v23 =	vshll.u32 v23, $0x5;
	v19 =	vor.u32 v1, v19;
	v24 =	vor.u32 v1, v24  }
0x17: {  	[tilespmem:s3], [sflag:$0x5] =	stream.linear.gather [hbm4b:s16+s3], $0x4000, $0x38;
	v21 =	vor.u32 v20, v17;
	v17 =	vmov s8;
	v25 =	vmov s15;
	[tilespmem:$0xB600] =	vst v63  }
0x18: {  	s18 =	simm.s32 $0x0;
	v22 =	vshll.u32 v22, $0x5;
	v18 =	vor.u32 v1, v18;
	v23 =	vor.u32 v1, v23  }
0x19: {  	s10 =	simm.s32 $0x80;
	v26 =	vor.u32 v20, v19;
	v19 =	vmov s18;
	v17 =	vshll.u32 v17, $0x5  }
0x1a: {  	s17 =	simm.s32 $0x5;
	s6 =	simm.s32 $0xF0;
	s7 =	sand.u32 $0x180, s10;
	v25 =	vshll.u32 v25, $0x5;
	v22 =	vor.u32 v1, v22;
	v18 =	vor.u32 v20, v18  }
0x1b: {  	_ =	swait.ge [sflag:s17], $0x4000;
	s8 =	sand.u32 $0x1F0, s6;
	v30 =	vor.u32 v20, v23;
	v23 =	vmov s7;
	v17 =	vor.u32 v1, v17  }
0x1c: {  	s16 =	simm.s32 $0xA0;
	[sflag:s17] =	ssyncset.done $0x0;
	s18 =	simm.s32 $0xC0;
	v27 =	vor.u32 v20, v17;
	v17 =	vand.u32 $0x1F, v19;
	v19 =	vmov s8  }
0x1d: {  	[sflag:s17] =	ssyncadd.s32 $0xFFFFC000;
	s10 =	sand.u32 $0x1A0, s16;
	s16 =	sand.u32 $0x1C0, s18;
	v28 =	vor.u32 v20, v22;
	v17 =	vbroadcast v17, $0x0;
	v22 =	vshll.u32 v19, $0x5  }
0x1e: {  	s15 =	simm.s32 $0xE0;
	v25 =	vor.u32 v1, v25;
	v31 =	vmov s16;
	v29 =	vld.idx.msk [tilespmem:v21+s3+$0x0], $0xffff;
	v21 =	vor.u32 v1, v22  }
0x1f: {  	s11 =	simm.s32 $0x90;
	s17 =	simm.s32 $0xB0;
	s18 =	sand.u32 $0x1E0, s15;
	v32 =	vshll.u32 v23, $0x5;
	v19 =	vor.u32 v20, v24;
	v24 =	vld.idx.msk [tilespmem:v26+s3+$0x0], $0xffff;
	v33 =	vor.u32 v17, v21  }
0x20: {  	s12 =	simm.s32 $0xD0;
	s2 =	sand.u32 $0x1B0, s17;
	v34 =	vmov s18;
	s8 =	sand.u32 $0x190, s11;
	v20 =	vor.u32 v20, v25;
	v22 =	vld.idx.msk [tilespmem:v18+s3+$0x0], $0xffff;
	v18 =	vmov s10  }
0x21: {  	s17 =	sand.u32 $0x1D0, s12;
	v25 =	vmov s8;
	v21 =	vmov s2;
	v35 =	vshll.u32 v18, $0x5;
	v18 =	vld.idx.msk [tilespmem:v30+s3+$0x0], $0xffff  }
0x22: {  	v26 =	vmov s17;
	v25 =	vshll.u32 v25, $0x5;
	v23 =	vld.idx.msk [tilespmem:v27+s3+$0x0], $0xffff;
	v27 =	vshll.u32 v21, $0x5  }
0x23: {  	s7 =	simm.s32 $0x4040;
	v21 =	vld.idx.msk [tilespmem:v28+s3+$0x0], $0xffff;
	v28 =	vshll.u32 v26, $0x5;
	v26 =	vshll.u32 v34, $0x5;
	v30 =	vor.u32 v1, v35  }
0x24: {  	s8 =	simm.s32 $0x4040;
	s10 =	simm.s32 $0x8;
	[tilespmem:s7+$0x30] =	vst v29;
	v29 =	vshll.u32 v31, $0x5;
	v31 =	vor.u32 v1, v32;
	v32 =	vor.u32 v1, v25;
	v25 =	vld.idx.msk [tilespmem:v33+s3+$0x0], $0xffff  }
.LBB2_2:
0x25: {  	s10 =	sadd.s32 $0x8, s10;
	v27 =	vor.u32 v1, v27;
	v29 =	vor.u32 v1, v29;
	v28 =	vor.u32 v1, v28;
	v33 =	vld.idx.msk [tilespmem:v19+s3+$0x0], $0xffff  }
0x26: {  	v31 =	vor.u32 v17, v31;
	v32 =	vor.u32 v17, v32;
	v26 =	vor.u32 v1, v26;
	s6 =	sadd.s32 $0x80, s6;
	s2 =	sshrl.u32 s10, $0x5;
	p0 =	slt.u32 s10, $0x338;
	v34 =	vld.idx.msk [tilespmem:v20+s3+$0x0], $0xffff  }
0x27: {  	v30 =	vor.u32 v17, v30;
	s11 =	sadd.s32 $0xFFFFFF90, s6;
	s12 =	sand.u32 $0x1F0, s6;
	v35 =	vor.u32 v17, v27;
	v19 =	vmov s2;
	s2 =	sadd.s32 $0xFFFFFFA0, s6;
	[tilespmem:s7+$0xFFFFFFC0] =	vst v22  }
0x28: {  	s15 =	sadd.s32 $0xFFFFFFB0, s6;
	s16 =	sadd.s32 $0xFFFFFFC0, s6;
	s17 =	sadd.s32 $0xFFFFFFD0, s6;
	v36 =	vor.u32 v17, v29;
	v20 =	vmov s12;
	v19 =	vand.u32 $0x1F, v19;
	[tilespmem:s7+$0xFFFFFFD0] =	vst v24  }
0x29: {  	s18 =	sadd.s32 $0xFFFFFFF0, s6;
	s12 =	sadd.s32 $0xFFFFFFE0, s6;
	v20 =	vshll.u32 v20, $0x5;
	s7 =	sadd.s32 $0x80, s7;
	v24 =	vbroadcast v19, $0x0;
	v19 =	vor.u32 v17, v28;
	[tilespmem:s8+$0xFFFFFFE0] =	vst v23  }
0x2a: {  	s11 =	sand.u32 $0x180, s11;
	s15 =	sand.u32 $0x1A0, s15;
	s2 =	sand.u32 $0x190, s2;
	v22 =	vor.u32 v1, v20;
	v20 =	vor.u32 v17, v26;
	[tilespmem:s7+$0x30] =	vst v25  }
0x2b: {  	s12 =	sand.u32 $0x1D0, s12;
	v23 =	vmov s11;
	s11 =	sand.u32 $0x1C0, s17;
	v25 =	vmov s2;
	s2 =	sand.u32 $0x1B0, s16;
	v37 =	vor.u32 v24, v22;
	v22 =	vld.idx.msk [tilespmem:v31+s3+$0x0], $0xffff;
	[tilespmem:s8+$0xFFFFFFF0] =	vst v21;
	v17 =	vmovc v24  }
.Ltmp0:
0x2c: {  	v28 =	vmov s11;
	v21 =	vmov s15;
	v26 =	vmov s2;
	s2 =	sand.u32 $0x1E0, s18;
	v24 =	vld.idx.msk [tilespmem:v32+s3+$0x0], $0xffff;
	(pc) =	sbr.rel @p0 .LBB2_2-.Ltmp0, $4  }
0x2d: {  	v31 =	vshll.u32 v23, $0x5;
	v32 =	vmov s12;
	v38 =	vmov s2;
	v23 =	vld.idx.msk [tilespmem:v30+s3+$0x0], $0xffff;
	[tilespmem:s8+$0x0] =	vst v18  }
0x2e: {  	v25 =	vshll.u32 v25, $0x5;
	v27 =	vshll.u32 v26, $0x5;
	v30 =	vshll.u32 v21, $0x5;
	v21 =	vld.idx.msk [tilespmem:v35+s3+$0x0], $0xffff;
	[tilespmem:s8+$0x10] =	vst v33  }
0x2f: {  	v29 =	vshll.u32 v28, $0x5;
	v28 =	vshll.u32 v32, $0x5;
	v26 =	vshll.u32 v38, $0x5;
	v18 =	vld.idx.msk [tilespmem:v36+s3+$0x0], $0xffff;
	[tilespmem:s8+$0x20] =	vst v34;
	s8 =	smov.u32 s7  }
0x30: {  	v31 =	vor.u32 v1, v31;
	v32 =	vor.u32 v1, v25;
	v30 =	vor.u32 v1, v30;
	v25 =	vld.idx.msk [tilespmem:v37+s3+$0x0], $0xffff  }
0x31: {  	_ = 	snop  }
0x32: {  	v31 =	vor.u32 v17, v31  }
0x33: {  	v32 =	vor.u32 v17, v32  }
0x34: {  	v27 =	vor.u32 v1, v27;
	v30 =	vor.u32 v17, v30;
	[tilespmem:s7+$0xFFFFFFC0] =	vst v22  }
0x35: {  	v57 =	vor.u32 v1, v29;
	v19 =	vld.idx.msk [tilespmem:v19+s3+$0x0], $0xffff;
	[tilespmem:s7+$0xFFFFFFD0] =	vst v24;
	v27 =	vor.u32 v17, v27  }
0x36: {  	v58 =	vor.u32 v1, v28;
	v20 =	vld.idx.msk [tilespmem:v20+s3+$0x0], $0xffff;
	v22 =	vor.u32 v17, v57;
	[tilespmem:s8+$0xFFFFFFE0] =	vst v23  }
0x37: {  	v59 =	vor.u32 v1, v26;
	v24 =	vor.u32 v17, v58;
	[tilespmem:s8+$0xFFFFFFF0] =	vst v21;
	v60 =	vld.idx.msk [tilespmem:v31+s3+$0x0], $0xffff  }
0x38: {  	s2 =	sadd.s32 $0x80, s7;
	v17 =	vor.u32 v17, v59;
	[tilespmem:s8+$0x0] =	vst v18;
	v61 =	vld.idx.msk [tilespmem:v32+s3+$0x0], $0xffff  }
0x39: {  	[tilespmem:s2+$0x30] =	vst v25;
	v62 =	vld.idx.msk [tilespmem:v30+s3+$0x0], $0xffff  }
0x3a: {  	[tilespmem:s8+$0x10] =	vst v19;
	v18 =	vld.idx.msk [tilespmem:v27+s3+$0x0], $0xffff  }
0x3b: {  	[tilespmem:s8+$0x20] =	vst v20;
	v19 =	vld.idx.msk [tilespmem:v22+s3+$0x0], $0xffff  }
0x3c: {  	v63 =	vld.idx.msk [tilespmem:v24+s3+$0x0], $0xffff;
	[tilespmem:s2+$0xFFFFFFC0] =	vst v60  }
0x3d: {  	v17 =	vld.idx.msk [tilespmem:v17+s3+$0x0], $0xffff;
	[tilespmem:s2+$0xFFFFFFD0] =	vst v61  }
0x3e: {  	[tilespmem:s2+$0xFFFFFFE0] =	vst v62  }
0x3f: {  	[tilespmem:s2+$0xFFFFFFF0] =	vst v18  }
0x40: {  	[tilespmem:s2+$0x0] =	vst v19  }
0x41: {  	s18 =	simm.s32 $0x4000;
	[tilespmem:s2+$0x10] =	vst v63  }
0x42: {  	s15 =	simm.s32 $0x7400;
	s10 =	simm.s32 $0x0;
	s12 =	rddreg [dreg:$0x1];
	[tilespmem:s2+$0x20] =	vst v17  }
0x43: {  	[tilespmem:s15], [sflag:$0x1] =	stream.indirect.gather [hbm4b:s4+s9], $0x20, s18, s9, $0xb8;
	[tilespmem:$0xB600] =	vst v63  }
0x44: {  	s16 =	simm.s32 $0x8400;
	s17 =	simm.s32 $0x9488;
	s18 =	simm.s32 $0x9510  }
.LBB2_4:
0x45: {  	s6 =	sshllo.u32 s10, $0x1  }
0x46: {  	s2 =	sshll.u32 s6, $0x7  }
0x47: {  	s2 =	sand.u32 $0x3FFFFF80, s2  }
0x48: {  	s2 =	sadd.s32 $0x4000, s2  }
0x49: {  	[tilespmem:s16], [sflag:$0x2] =	stream.indirect.gather [hbm4b:s4+s9], $0x20, s2, s9, $0xb8;
	[tilespmem:$0xB600] =	vst v63  }
0x4a: {  	_ =	swait.ge [sflag:s13], $0x1000  }
0x4b: {  	p0 =	seq.s32 s10, $0x0;
	[sflag:s13] =	ssyncset.done $0x0  }
0x4c: {  	s2 =	simm.s32 @!p0 $0x3;
	[sflag:s13] =	ssyncadd.s32 $0xFFFFF000  }
0x4d: {  	_ =	swait.ge @!p0 [sflag:s2], $0x1000  }
0x4e: {  	[sflag:s2] =	ssyncset.done @!p0 $0x0  }
0x4f: {  	s7 =	simm.s32 $0x7480;
	[sflag:s2] =	ssyncadd.s32 @!p0 $0xFFFFF000  }
0x50: {  	v20 =	vimm.s32 $0x0;
	v17 =	vld [tilespmem:s7+$0x40]  }
0x51: {  	v18 =	vadd.s32 v13, v20;
	v19 =	vld [tilespmem:s7+$0xFFFFFFC0]  }
0x52: {  	v23 =	vadd.s32 v15, v20;
	v21 =	vld [tilespmem:s7+$0x60]  }
0x53: {  	v24 =	vadd.s32 v7, v20;
	v25 =	vld [tilespmem:s7+$0xFFFFFFE0]  }
0x54: {  	v26 =	vadd.s32 v5, v20;
	v28 =	vld [tilespmem:s7+$0xFFFFFF80]  }
0x55: {  	v27 =	vadd.s32 v9, v20;
	v29 =	vld [tilespmem:s7+$0x0]  }
0x56: {  	v31 =	vadd.s32 v0, v20;
	v22 =	vld [tilespmem:s7+$0x20];
	[tilespmem:v18+s14+$0x0] =	vst.idx.msk $0xffff, v17  }
0x57: {  	v30 =	vadd.s32 v3, v20;
	v17 =	vld [tilespmem:s7+$0xFFFFFFA0];
	[tilespmem:v23+s14+$0x0] =	vst.idx.msk $0xffff, v21  }
0x58: {  	v33 =	vadd.s32 v16, v20;
	[tilespmem:v24+s14+$0x0] =	vst.idx.msk $0xffff, v25;
	v32 =	vld [tilespmem:s7+$0x70]  }
0x59: {  	[tilespmem:v26+s14+$0x0] =	vst.idx.msk $0xffff, v19;
	v18 =	vadd.s32 v11, v20;
	v21 =	vld [tilespmem:s7+$0xFFFFFFF0]  }
0x5a: {  	v26 =	vadd.s32 v6, v20;
	[tilespmem:v27+s14+$0x0] =	vst.idx.msk $0xffff, v29;
	v24 =	vld [tilespmem:s7+$0xFFFFFFD0]  }
0x5b: {  	v27 =	vadd.s32 v8, v20;
	[tilespmem:v31+s14+$0x0] =	vst.idx.msk $0xffff, v28;
	v29 =	vadd.s32 v10, v20;
	v25 =	vld [tilespmem:s7+$0x10]  }
0x5c: {  	v23 =	vadd.s32 v12, v20;
	v28 =	vadd.s32 v2, v20;
	[tilespmem:v30+s14+$0x0] =	vst.idx.msk $0xffff, v17;
	v30 =	vld [tilespmem:s7+$0x50]  }
0x5d: {  	s8 =	sshll.u32 s10, $0x1;
	s11 =	simm.s32 $0x0;
	s2 =	simm.s32 $0x7580;
	v31 =	vadd.s32 v14, v20;
	v17 =	vadd.s32 v4, v20;
	v20 =	vadd.s32 $0x8, v20;
	v19 =	vld [tilespmem:s7+$0xFFFFFFB0];
	[tilespmem:v33+s14+$0x0] =	vst.idx.msk $0xffff, v32  }
.LBB2_5:
0x5e: {  	v32 =	vadd.s32 v0, v20;
	v33 =	vadd.s32 v5, v20;
	s11 =	sadd.s32 $0x8, s11;
	v34 =	vld [tilespmem:s7+$0xFFFFFF90];
	[tilespmem:v18+s14+$0x0] =	vst.idx.msk $0xffff, v22  }
0x5f: {  	v35 =	vadd.s32 v7, v20;
	v22 =	vadd.s32 v13, v20;
	p1 =	slt.u32 s11, $0x78;
	[tilespmem:v26+s14+$0x0] =	vst.idx.msk $0xffff, v24;
	v24 =	vld [tilespmem:s7+$0x30];
	s7 =	smov.u32 s2  }
0x60: {  	v36 =	vadd.s32 v9, v20;
	v18 =	vadd.s32 v11, v20;
	v26 =	vld [tilespmem:s2+$0x40];
	[tilespmem:v27+s14+$0x0] =	vst.idx.msk $0xffff, v21  }
0x61: {  	v21 =	vld [tilespmem:s2+$0xFFFFFFC0];
	[tilespmem:v29+s14+$0x0] =	vst.idx.msk $0xffff, v25  }
0x62: {  	v27 =	vadd.s32 v15, v20;
	v25 =	vld [tilespmem:s2+$0x60];
	[tilespmem:v31+s14+$0x0] =	vst.idx.msk $0xffff, v30  }
0x63: {  	v29 =	vld [tilespmem:s2+$0xFFFFFFE0];
	[tilespmem:v28+s14+$0x0] =	vst.idx.msk $0xffff, v34  }
0x64: {  	v28 =	vld [tilespmem:s2+$0xFFFFFF80];
	[tilespmem:v23+s14+$0x0] =	vst.idx.msk $0xffff, v24  }
0x65: {  	v23 =	vld [tilespmem:s2+$0x0];
	[tilespmem:v22+s14+$0x0] =	vst.idx.msk $0xffff, v26  }
0x66: {  	v31 =	vadd.s32 v3, v20;
	v30 =	vld [tilespmem:s2+$0xFFFFFFA0];
	[tilespmem:v17+s14+$0x0] =	vst.idx.msk $0xffff, v19  }
0x67: {  	v22 =	vld [tilespmem:s2+$0x20];
	[tilespmem:v27+s14+$0x0] =	vst.idx.msk $0xffff, v25  }
0x68: {  	[tilespmem:v35+s14+$0x0] =	vst.idx.msk $0xffff, v29;
	v34 =	vld [tilespmem:s2+$0x70];
	v35 =	vadd.s32 v16, v20  }
.Ltmp1:
0x69: {  	[tilespmem:v33+s14+$0x0] =	vst.idx.msk $0xffff, v21;
	v21 =	vld [tilespmem:s2+$0xFFFFFFF0];
	(pc) =	sbr.rel @p1 .LBB2_5-.Ltmp1, $4  }
0x6a: {  	v26 =	vadd.s32 v6, v20;
	v24 =	vld [tilespmem:s2+$0xFFFFFFD0];
	[tilespmem:v36+s14+$0x0] =	vst.idx.msk $0xffff, v23  }
0x6b: {  	v17 =	vadd.s32 v4, v20;
	v27 =	vadd.s32 v8, v20;
	[tilespmem:v31+s14+$0x0] =	vst.idx.msk $0xffff, v30;
	v25 =	vld [tilespmem:s2+$0x10]  }
0x6c: {  	v29 =	vadd.s32 v10, v20;
	v23 =	vadd.s32 v12, v20;
	[tilespmem:v32+s14+$0x0] =	vst.idx.msk $0xffff, v28;
	v19 =	vld [tilespmem:s2+$0xFFFFFFB0]  }
0x6d: {  	v31 =	vadd.s32 v14, v20;
	v28 =	vadd.s32 v2, v20;
	v20 =	vadd.s32 $0x8, v20;
	s2 =	sadd.s32 $0x100, s2;
	v30 =	vld [tilespmem:s7+$0x50];
	[tilespmem:v35+s14+$0x0] =	vst.idx.msk $0xffff, v34  }
0x6e: {  	_ =	sdelay $0x3  }
0x6f: {  	[tilespmem:v18+s14+$0x0] =	vst.idx.msk $0xffff, v22  }
0x70: {  	v20 =	vld [tilespmem:s7+$0xFFFFFF90];
	[tilespmem:v27+s14+$0x0] =	vst.idx.msk $0xffff, v21  }
0x71: {  	[tilespmem:v26+s14+$0x0] =	vst.idx.msk $0xffff, v24;
	v18 =	vld [tilespmem:s7+$0x30]  }
0x72: {  	[tilespmem:v29+s14+$0x0] =	vst.idx.msk $0xffff, v25  }
0x73: {  	s2 =	sshll.u32 s10, $0xF;
	s8 =	sand.u32 $0x2, s8;
	[tilespmem:v17+s14+$0x0] =	vst.idx.msk $0xffff, v19  }
0x74: {  	s2 =	sand.u32 $0x1F0000, s2;
	s7 =	sor.u32 s5, s8;
	[tilespmem:v31+s14+$0x0] =	vst.idx.msk $0xffff, v30  }
0x75: {  	s11 =	sshll.u32 s7, $0x7;
	s7 =	sadd.s32 s12, s2;
	[tilespmem:v28+s14+$0x0] =	vst.idx.msk $0xffff, v20  }
0x76: {  	s2 =	sadd.s32 s11, s7;
	[tilespmem:v23+s14+$0x0] =	vst.idx.msk $0xffff, v18  }
0x77: {  	[hbm4b:s2+s3] =	stream.linear.scatter [tilespmem:s14], [sflag:$0x3], $0x80, $0x38;
	[tilespmem:$0xB600] =	vst v63  }
0x78: {  	s8 =	sadd.s32 $0x10, s2  }
0x79: {  	[hbm4b:s8+s3] =	stream.linear.scatter [tilespmem:s17], [sflag:$0x3], $0x80, $0x38;
	[tilespmem:$0xB600] =	vst v63  }
0x7a: {  	s11 =	sadd.s32 $0x20, s2  }
0x7b: {  	[hbm4b:s11+s3] =	stream.linear.scatter [tilespmem:s18], [sflag:$0x3], $0x80, $0x38;
	[tilespmem:$0xB600] =	vst v63  }
0x7c: {  	s8 =	sadd.s32 $0x30, s2;
	s11 =	simm.s32 $0x9598  }
0x7d: {  	[hbm4b:s8+s3] =	stream.linear.scatter [tilespmem:s11], [sflag:$0x3], $0x80, $0x38;
	[tilespmem:$0xB600] =	vst v63  }
0x7e: {  	s8 =	sadd.s32 $0x40, s2;
	s11 =	simm.s32 $0x9620  }
0x7f: {  	[hbm4b:s8+s3] =	stream.linear.scatter [tilespmem:s11], [sflag:$0x3], $0x80, $0x38;
	[tilespmem:$0xB600] =	vst v63  }
0x80: {  	s8 =	sadd.s32 $0x50, s2;
	s11 =	simm.s32 $0x96A8  }
0x81: {  	[hbm4b:s8+s3] =	stream.linear.scatter [tilespmem:s11], [sflag:$0x3], $0x80, $0x38;
	[tilespmem:$0xB600] =	vst v63  }
0x82: {  	s8 =	sadd.s32 $0x60, s2;
	s11 =	simm.s32 $0x9730  }
0x83: {  	[hbm4b:s8+s3] =	stream.linear.scatter [tilespmem:s11], [sflag:$0x3], $0x80, $0x38;
	[tilespmem:$0xB600] =	vst v63  }
0x84: {  	s8 =	sadd.s32 $0x70, s2;
	s11 =	simm.s32 $0x97B8  }
0x85: {  	[hbm4b:s8+s3] =	stream.linear.scatter [tilespmem:s11], [sflag:$0x3], $0x80, $0x38;
	[tilespmem:$0xB600] =	vst v63  }
0x86: {  	s8 =	sadd.s32 $0x4000, s2;
	s11 =	simm.s32 $0x9840  }
0x87: {  	[hbm4b:s8+s3] =	stream.linear.scatter [tilespmem:s11], [sflag:$0x3], $0x80, $0x38;
	[tilespmem:$0xB600] =	vst v63  }
0x88: {  	s8 =	sadd.s32 $0x4010, s2;
	s11 =	simm.s32 $0x98C8  }
0x89: {  	[hbm4b:s8+s3] =	stream.linear.scatter [tilespmem:s11], [sflag:$0x3], $0x80, $0x38;
	[tilespmem:$0xB600] =	vst v63  }
0x8a: {  	s8 =	sadd.s32 $0x4020, s2;
	s11 =	simm.s32 $0x9950  }
0x8b: {  	[hbm4b:s8+s3] =	stream.linear.scatter [tilespmem:s11], [sflag:$0x3], $0x80, $0x38;
	[tilespmem:$0xB600] =	vst v63  }
0x8c: {  	s8 =	sadd.s32 $0x4030, s2;
	s11 =	simm.s32 $0x99D8  }
0x8d: {  	[hbm4b:s8+s3] =	stream.linear.scatter [tilespmem:s11], [sflag:$0x3], $0x80, $0x38;
	[tilespmem:$0xB600] =	vst v63  }
0x8e: {  	s8 =	sadd.s32 $0x4040, s2;
	s11 =	simm.s32 $0x9A60  }
0x8f: {  	[hbm4b:s8+s3] =	stream.linear.scatter [tilespmem:s11], [sflag:$0x3], $0x80, $0x38;
	[tilespmem:$0xB600] =	vst v63  }
0x90: {  	s8 =	sadd.s32 $0x4050, s2;
	s11 =	simm.s32 $0x9AE8  }
0x91: {  	[hbm4b:s8+s3] =	stream.linear.scatter [tilespmem:s11], [sflag:$0x3], $0x80, $0x38;
	[tilespmem:$0xB600] =	vst v63  }
0x92: {  	s8 =	sadd.s32 $0x4060, s2;
	s11 =	simm.s32 $0x9B70  }
0x93: {  	[hbm4b:s8+s3] =	stream.linear.scatter [tilespmem:s11], [sflag:$0x3], $0x80, $0x38;
	[tilespmem:$0xB600] =	vst v63  }
0x94: {  	s8 =	sadd.s32 $0x4070, s2;
	s11 =	simm.s32 $0x9BF8  }
0x95: {  	[hbm4b:s8+s3] =	stream.linear.scatter [tilespmem:s11], [sflag:$0x3], $0x80, $0x38;
	[tilespmem:$0xB600] =	vst v63  }
0x96: {  	s8 =	sadd.s32 $0x8000, s2;
	s11 =	simm.s32 $0x9C80  }
0x97: {  	[hbm4b:s8+s3] =	stream.linear.scatter [tilespmem:s11], [sflag:$0x3], $0x80, $0x38;
	[tilespmem:$0xB600] =	vst v63  }
0x98: {  	s8 =	sadd.s32 $0x8010, s2;
	s11 =	simm.s32 $0x9D08  }
0x99: {  	[hbm4b:s8+s3] =	stream.linear.scatter [tilespmem:s11], [sflag:$0x3], $0x80, $0x38;
	[tilespmem:$0xB600] =	vst v63  }
0x9a: {  	s8 =	sadd.s32 $0x8020, s2;
	s11 =	simm.s32 $0x9D90  }
0x9b: {  	[hbm4b:s8+s3] =	stream.linear.scatter [tilespmem:s11], [sflag:$0x3], $0x80, $0x38;
	[tilespmem:$0xB600] =	vst v63  }
0x9c: {  	s8 =	sadd.s32 $0x8030, s2;
	s11 =	simm.s32 $0x9E18  }
0x9d: {  	[hbm4b:s8+s3] =	stream.linear.scatter [tilespmem:s11], [sflag:$0x3], $0x80, $0x38;
	[tilespmem:$0xB600] =	vst v63  }
0x9e: {  	s8 =	sadd.s32 $0x8040, s2;
	s11 =	simm.s32 $0x9EA0  }
0x9f: {  	[hbm4b:s8+s3] =	stream.linear.scatter [tilespmem:s11], [sflag:$0x3], $0x80, $0x38;
	[tilespmem:$0xB600] =	vst v63  }
0xa0: {  	s8 =	sadd.s32 $0x8050, s2;
	s11 =	simm.s32 $0x9F28  }
0xa1: {  	[hbm4b:s8+s3] =	stream.linear.scatter [tilespmem:s11], [sflag:$0x3], $0x80, $0x38;
	[tilespmem:$0xB600] =	vst v63  }
0xa2: {  	s8 =	sadd.s32 $0x8060, s2;
	s11 =	simm.s32 $0x9FB0  }
0xa3: {  	[hbm4b:s8+s3] =	stream.linear.scatter [tilespmem:s11], [sflag:$0x3], $0x80, $0x38;
	[tilespmem:$0xB600] =	vst v63  }
0xa4: {  	s8 =	sadd.s32 $0x8070, s2;
	s11 =	simm.s32 $0xA038  }
0xa5: {  	[hbm4b:s8+s3] =	stream.linear.scatter [tilespmem:s11], [sflag:$0x3], $0x80, $0x38;
	[tilespmem:$0xB600] =	vst v63  }
0xa6: {  	s8 =	sadd.s32 $0xC000, s2;
	s11 =	simm.s32 $0xA0C0  }
0xa7: {  	[hbm4b:s8+s3] =	stream.linear.scatter [tilespmem:s11], [sflag:$0x3], $0x80, $0x38;
	[tilespmem:$0xB600] =	vst v63  }
0xa8: {  	s8 =	sadd.s32 $0xC010, s2;
	s11 =	simm.s32 $0xA148  }
0xa9: {  	[hbm4b:s8+s3] =	stream.linear.scatter [tilespmem:s11], [sflag:$0x3], $0x80, $0x38;
	[tilespmem:$0xB600] =	vst v63  }
0xaa: {  	s8 =	sadd.s32 $0xC020, s2;
	s11 =	simm.s32 $0xA1D0  }
0xab: {  	[hbm4b:s8+s3] =	stream.linear.scatter [tilespmem:s11], [sflag:$0x3], $0x80, $0x38;
	[tilespmem:$0xB600] =	vst v63  }
0xac: {  	s8 =	sadd.s32 $0xC030, s2;
	s11 =	simm.s32 $0xA258  }
0xad: {  	[hbm4b:s8+s3] =	stream.linear.scatter [tilespmem:s11], [sflag:$0x3], $0x80, $0x38;
	[tilespmem:$0xB600] =	vst v63  }
0xae: {  	s8 =	sadd.s32 $0xC040, s2;
	s11 =	simm.s32 $0xA2E0  }
0xaf: {  	[hbm4b:s8+s3] =	stream.linear.scatter [tilespmem:s11], [sflag:$0x3], $0x80, $0x38;
	[tilespmem:$0xB600] =	vst v63  }
0xb0: {  	p1 =	sne.s32 s10, $0x33;
	s8 =	sadd.s32 $0xC050, s2;
	s11 =	simm.s32 $0xA368  }
0xb1: {  	[hbm4b:s8+s3] =	stream.linear.scatter [tilespmem:s11], [sflag:$0x3], $0x80, $0x38;
	[tilespmem:$0xB600] =	vst v63  }
.Ltmp2:
0xb2: {  	_ = 	snop;
	(pc) =	sbr.rel @p1 .LBB2_8-.Ltmp2, $4  }
0xb3: {  	s8 =	sadd.s32 $0xC060, s2;
	s11 =	simm.s32 $0xA3F0  }
0xb4: {  	[hbm4b:s8+s3] =	stream.linear.scatter [tilespmem:s11], [sflag:$0x3], $0x80, $0x38;
	[tilespmem:$0xB600] =	vst v63  }
0xb5: {  	s2 =	sadd.s32 $0xC070, s2;
	s11 =	simm.s32 $0xA478  }
0xb6: {  	[hbm4b:s2+s3] =	stream.linear.scatter [tilespmem:s11], [sflag:$0x3], $0x80, $0x38;
	[tilespmem:$0xB600] =	vst v63  }
.Ltmp3:
0xb7: {  	(pc) =	sbr.rel .LBB2_9-.Ltmp3, $4  }
0xb8: {  	_ = 	snop  }
0xb9: {  	_ =	swait.ge [sflag:s21], $0x1000  }
0xba: {  	[sflag:s21] =	ssyncset.done $0x0  }
0xbb: {  	[sflag:s21] =	ssyncadd.s32 $0xFFFFF000  }
.LBB2_8:
0xbc: {  	s2 =	sshll.u32 s10, $0x8  }
0xbd: {  	s2 =	sand.u32 $0x3FFFFF00, s2  }
.Ltmp4:
0xbe: {  	s2 =	sadd.s32 $0x4100, s2;
	(pc) =	sbr.rel @p0 .LBB2_10-.Ltmp4, $4  }
0xbf: {  	[tilespmem:s15], [sflag:$0x1] =	stream.indirect.gather [hbm4b:s4+s9], $0x20, s2, s9, $0xb8;
	[tilespmem:$0xB600] =	vst v63  }
0xc0: {  	_ =	swait.ge [sflag:s21], $0x1000  }
0xc1: {  	[sflag:s21] =	ssyncset.done $0x0  }
0xc2: {  	[sflag:s21] =	ssyncadd.s32 $0xFFFFF000  }
.LBB2_9:
0xc3: {  	_ =	swait.ge [sflag:s22], $0x1000  }
0xc4: {  	[sflag:s22] =	ssyncset.done $0x0  }
0xc5: {  	[sflag:s22] =	ssyncadd.s32 $0xFFFFF000  }
.LBB2_10:
0xc6: {  	s8 =	simm.s32 $0x84F0  }
0xc7: {  	v19 =	vimm.s32 $0x0;
	v17 =	vld [tilespmem:s8+$0xFFFFFFD0]  }
0xc8: {  	v18 =	vadd.s32 v13, v19;
	v20 =	vld [tilespmem:s8+$0xFFFFFF50]  }
0xc9: {  	v21 =	vld [tilespmem:s8+$0xFFFFFFF0];
	v23 =	vadd.s32 v15, v19  }
0xca: {  	v24 =	vadd.s32 v7, v19;
	v25 =	vld [tilespmem:s8+$0xFFFFFF70]  }
0xcb: {  	v26 =	vadd.s32 v5, v19;
	v28 =	vld [tilespmem:s8+$0xFFFFFF10]  }
0xcc: {  	v27 =	vadd.s32 v9, v19;
	v29 =	vld [tilespmem:s8+$0xFFFFFF90]  }
0xcd: {  	v31 =	vadd.s32 v0, v19;
	v22 =	vld [tilespmem:s8+$0xFFFFFFB0];
	[tilespmem:v18+s23+$0x0] =	vst.idx.msk $0xffff, v17  }
0xce: {  	v30 =	vadd.s32 v3, v19;
	v18 =	vld [tilespmem:s8+$0xFFFFFF30];
	[tilespmem:v23+s23+$0x0] =	vst.idx.msk $0xffff, v21  }
0xcf: {  	v33 =	vadd.s32 v16, v19;
	[tilespmem:v24+s23+$0x0] =	vst.idx.msk $0xffff, v25;
	v32 =	vld [tilespmem:s8+$0x0]  }
0xd0: {  	[tilespmem:v26+s23+$0x0] =	vst.idx.msk $0xffff, v20;
	v17 =	vadd.s32 v11, v19;
	v21 =	vld [tilespmem:s8+$0xFFFFFF80]  }
0xd1: {  	v26 =	vadd.s32 v6, v19;
	[tilespmem:v27+s23+$0x0] =	vst.idx.msk $0xffff, v29;
	v24 =	vld [tilespmem:s8+$0xFFFFFF60]  }
0xd2: {  	v27 =	vadd.s32 v8, v19;
	[tilespmem:v31+s23+$0x0] =	vst.idx.msk $0xffff, v28;
	v29 =	vadd.s32 v10, v19;
	v25 =	vld [tilespmem:s8+$0xFFFFFFA0]  }
0xd3: {  	v23 =	vadd.s32 v12, v19;
	v28 =	vadd.s32 v2, v19;
	[tilespmem:v30+s23+$0x0] =	vst.idx.msk $0xffff, v18;
	v30 =	vld [tilespmem:s8+$0xFFFFFFE0]  }
0xd4: {  	s11 =	simm.s32 $0x0;
	s2 =	simm.s32 $0x85F0;
	v31 =	vadd.s32 v14, v19;
	v18 =	vadd.s32 v4, v19;
	v19 =	vadd.s32 $0x8, v19;
	v20 =	vld [tilespmem:s8+$0xFFFFFF40];
	[tilespmem:v33+s23+$0x0] =	vst.idx.msk $0xffff, v32  }
.LBB2_11:
0xd5: {  	v32 =	vadd.s32 v0, v19;
	v33 =	vadd.s32 v5, v19;
	s11 =	sadd.s32 $0x8, s11;
	v34 =	vld [tilespmem:s8+$0xFFFFFF20];
	[tilespmem:v17+s23+$0x0] =	vst.idx.msk $0xffff, v22  }
0xd6: {  	v35 =	vadd.s32 v7, v19;
	v22 =	vadd.s32 v13, v19;
	p0 =	slt.u32 s11, $0x78;
	[tilespmem:v26+s23+$0x0] =	vst.idx.msk $0xffff, v24;
	v24 =	vld [tilespmem:s8+$0xFFFFFFC0];
	s8 =	smov.u32 s2  }
0xd7: {  	v36 =	vadd.s32 v9, v19;
	v17 =	vadd.s32 v11, v19;
	v26 =	vld [tilespmem:s2+$0xFFFFFFD0];
	[tilespmem:v27+s23+$0x0] =	vst.idx.msk $0xffff, v21  }
0xd8: {  	v21 =	vld [tilespmem:s2+$0xFFFFFF50];
	[tilespmem:v29+s23+$0x0] =	vst.idx.msk $0xffff, v25  }
0xd9: {  	v27 =	vadd.s32 v15, v19;
	v25 =	vld [tilespmem:s2+$0xFFFFFFF0];
	[tilespmem:v31+s23+$0x0] =	vst.idx.msk $0xffff, v30  }
0xda: {  	v29 =	vld [tilespmem:s2+$0xFFFFFF70];
	[tilespmem:v28+s23+$0x0] =	vst.idx.msk $0xffff, v34  }
0xdb: {  	v28 =	vld [tilespmem:s2+$0xFFFFFF10];
	[tilespmem:v23+s23+$0x0] =	vst.idx.msk $0xffff, v24  }
0xdc: {  	v23 =	vld [tilespmem:s2+$0xFFFFFF90];
	[tilespmem:v22+s23+$0x0] =	vst.idx.msk $0xffff, v26  }
0xdd: {  	v31 =	vadd.s32 v3, v19;
	v30 =	vld [tilespmem:s2+$0xFFFFFF30];
	[tilespmem:v18+s23+$0x0] =	vst.idx.msk $0xffff, v20  }
0xde: {  	v22 =	vld [tilespmem:s2+$0xFFFFFFB0];
	[tilespmem:v27+s23+$0x0] =	vst.idx.msk $0xffff, v25  }
0xdf: {  	[tilespmem:v35+s23+$0x0] =	vst.idx.msk $0xffff, v29;
	v34 =	vld [tilespmem:s2+$0x0];
	v35 =	vadd.s32 v16, v19  }
.Ltmp5:
0xe0: {  	[tilespmem:v33+s23+$0x0] =	vst.idx.msk $0xffff, v21;
	v21 =	vld [tilespmem:s2+$0xFFFFFF80];
	(pc) =	sbr.rel @p0 .LBB2_11-.Ltmp5, $4  }
0xe1: {  	v26 =	vadd.s32 v6, v19;
	v24 =	vld [tilespmem:s2+$0xFFFFFF60];
	[tilespmem:v36+s23+$0x0] =	vst.idx.msk $0xffff, v23  }
0xe2: {  	v18 =	vadd.s32 v4, v19;
	v27 =	vadd.s32 v8, v19;
	[tilespmem:v31+s23+$0x0] =	vst.idx.msk $0xffff, v30;
	v25 =	vld [tilespmem:s2+$0xFFFFFFA0]  }
0xe3: {  	v29 =	vadd.s32 v10, v19;
	v23 =	vadd.s32 v12, v19;
	[tilespmem:v32+s23+$0x0] =	vst.idx.msk $0xffff, v28;
	v20 =	vld [tilespmem:s2+$0xFFFFFF40]  }
0xe4: {  	v31 =	vadd.s32 v14, v19;
	v28 =	vadd.s32 v2, v19;
	v19 =	vadd.s32 $0x8, v19;
	s2 =	sadd.s32 $0x100, s2;
	v30 =	vld [tilespmem:s8+$0xFFFFFFE0];
	[tilespmem:v35+s23+$0x0] =	vst.idx.msk $0xffff, v34  }
0xe5: {  	_ =	sdelay $0x3  }
0xe6: {  	[tilespmem:v17+s23+$0x0] =	vst.idx.msk $0xffff, v22  }
0xe7: {  	v19 =	vld [tilespmem:s8+$0xFFFFFF20];
	[tilespmem:v27+s23+$0x0] =	vst.idx.msk $0xffff, v21  }
0xe8: {  	v17 =	vld [tilespmem:s8+$0xFFFFFFC0];
	[tilespmem:v26+s23+$0x0] =	vst.idx.msk $0xffff, v24  }
0xe9: {  	[tilespmem:v29+s23+$0x0] =	vst.idx.msk $0xffff, v25  }
0xea: {  	s2 =	sand.u32 $0x3, s6;
	[tilespmem:v18+s23+$0x0] =	vst.idx.msk $0xffff, v20  }
0xeb: {  	s2 =	sor.u32 s5, s2;
	[tilespmem:v31+s23+$0x0] =	vst.idx.msk $0xffff, v30  }
0xec: {  	s2 =	sshll.u32 s2, $0x7;
	[tilespmem:v28+s23+$0x0] =	vst.idx.msk $0xffff, v19  }
0xed: {  	s2 =	sadd.s32 s2, s7;
	[tilespmem:v23+s23+$0x0] =	vst.idx.msk $0xffff, v17  }
0xee: {  	[hbm4b:s2+s3] =	stream.linear.scatter [tilespmem:s23], [sflag:$0x4], $0x80, $0x38;
	[tilespmem:$0xB600] =	vst v63  }
0xef: {  	s11 =	simm.s32 $0xA588;
	s8 =	sadd.s32 $0x10, s2  }
0xf0: {  	[hbm4b:s8+s3] =	stream.linear.scatter [tilespmem:s11], [sflag:$0x4], $0x80, $0x38;
	[tilespmem:$0xB600] =	vst v63  }
0xf1: {  	s8 =	sadd.s32 $0x20, s2;
	s11 =	simm.s32 $0xA610  }
0xf2: {  	[hbm4b:s8+s3] =	stream.linear.scatter [tilespmem:s11], [sflag:$0x4], $0x80, $0x38;
	[tilespmem:$0xB600] =	vst v63  }
0xf3: {  	s8 =	sadd.s32 $0x30, s2;
	s11 =	simm.s32 $0xA698  }
0xf4: {  	[hbm4b:s8+s3] =	stream.linear.scatter [tilespmem:s11], [sflag:$0x4], $0x80, $0x38;
	[tilespmem:$0xB600] =	vst v63  }
0xf5: {  	s8 =	sadd.s32 $0x40, s2;
	s11 =	simm.s32 $0xA720  }
0xf6: {  	[hbm4b:s8+s3] =	stream.linear.scatter [tilespmem:s11], [sflag:$0x4], $0x80, $0x38;
	[tilespmem:$0xB600] =	vst v63  }
0xf7: {  	s8 =	sadd.s32 $0x50, s2;
	s11 =	simm.s32 $0xA7A8  }
0xf8: {  	[hbm4b:s8+s3] =	stream.linear.scatter [tilespmem:s11], [sflag:$0x4], $0x80, $0x38;
	[tilespmem:$0xB600] =	vst v63  }
0xf9: {  	s8 =	sadd.s32 $0x60, s2;
	s11 =	simm.s32 $0xA830  }
0xfa: {  	[hbm4b:s8+s3] =	stream.linear.scatter [tilespmem:s11], [sflag:$0x4], $0x80, $0x38;
	[tilespmem:$0xB600] =	vst v63  }
0xfb: {  	s8 =	sadd.s32 $0x70, s2;
	s11 =	simm.s32 $0xA8B8  }
0xfc: {  	[hbm4b:s8+s3] =	stream.linear.scatter [tilespmem:s11], [sflag:$0x4], $0x80, $0x38;
	[tilespmem:$0xB600] =	vst v63  }
0xfd: {  	s8 =	sadd.s32 $0x4000, s2;
	s11 =	simm.s32 $0xA940  }
0xfe: {  	[hbm4b:s8+s3] =	stream.linear.scatter [tilespmem:s11], [sflag:$0x4], $0x80, $0x38;
	[tilespmem:$0xB600] =	vst v63  }
0xff: {  	s8 =	sadd.s32 $0x4010, s2;
	s11 =	simm.s32 $0xA9C8  }
0x100: {  	[hbm4b:s8+s3] =	stream.linear.scatter [tilespmem:s11], [sflag:$0x4], $0x80, $0x38;
	[tilespmem:$0xB600] =	vst v63  }
0x101: {  	s8 =	sadd.s32 $0x4020, s2;
	s11 =	simm.s32 $0xAA50  }
0x102: {  	[hbm4b:s8+s3] =	stream.linear.scatter [tilespmem:s11], [sflag:$0x4], $0x80, $0x38;
	[tilespmem:$0xB600] =	vst v63  }
0x103: {  	s8 =	sadd.s32 $0x4030, s2;
	s11 =	simm.s32 $0xAAD8  }
0x104: {  	[hbm4b:s8+s3] =	stream.linear.scatter [tilespmem:s11], [sflag:$0x4], $0x80, $0x38;
	[tilespmem:$0xB600] =	vst v63  }
0x105: {  	s8 =	sadd.s32 $0x4040, s2;
	s11 =	simm.s32 $0xAB60  }
0x106: {  	[hbm4b:s8+s3] =	stream.linear.scatter [tilespmem:s11], [sflag:$0x4], $0x80, $0x38;
	[tilespmem:$0xB600] =	vst v63  }
0x107: {  	s8 =	sadd.s32 $0x4050, s2;
	s11 =	simm.s32 $0xABE8  }
0x108: {  	[hbm4b:s8+s3] =	stream.linear.scatter [tilespmem:s11], [sflag:$0x4], $0x80, $0x38;
	[tilespmem:$0xB600] =	vst v63  }
0x109: {  	s8 =	sadd.s32 $0x4060, s2;
	s11 =	simm.s32 $0xAC70  }
0x10a: {  	[hbm4b:s8+s3] =	stream.linear.scatter [tilespmem:s11], [sflag:$0x4], $0x80, $0x38;
	[tilespmem:$0xB600] =	vst v63  }
0x10b: {  	s8 =	sadd.s32 $0x4070, s2;
	s11 =	simm.s32 $0xACF8  }
0x10c: {  	[hbm4b:s8+s3] =	stream.linear.scatter [tilespmem:s11], [sflag:$0x4], $0x80, $0x38;
	[tilespmem:$0xB600] =	vst v63  }
0x10d: {  	s8 =	sadd.s32 $0x8000, s2;
	s11 =	simm.s32 $0xAD80  }
0x10e: {  	[hbm4b:s8+s3] =	stream.linear.scatter [tilespmem:s11], [sflag:$0x4], $0x80, $0x38;
	[tilespmem:$0xB600] =	vst v63  }
0x10f: {  	s8 =	sadd.s32 $0x8010, s2;
	s11 =	simm.s32 $0xAE08  }
0x110: {  	[hbm4b:s8+s3] =	stream.linear.scatter [tilespmem:s11], [sflag:$0x4], $0x80, $0x38;
	[tilespmem:$0xB600] =	vst v63  }
0x111: {  	s8 =	sadd.s32 $0x8020, s2;
	s11 =	simm.s32 $0xAE90  }
0x112: {  	[hbm4b:s8+s3] =	stream.linear.scatter [tilespmem:s11], [sflag:$0x4], $0x80, $0x38;
	[tilespmem:$0xB600] =	vst v63  }
0x113: {  	s8 =	sadd.s32 $0x8030, s2;
	s11 =	simm.s32 $0xAF18  }
0x114: {  	[hbm4b:s8+s3] =	stream.linear.scatter [tilespmem:s11], [sflag:$0x4], $0x80, $0x38;
	[tilespmem:$0xB600] =	vst v63  }
0x115: {  	s7 =	sadd.s32 $0x8040, s2;
	s8 =	simm.s32 $0xAFA0  }
0x116: {  	[hbm4b:s7+s3] =	stream.linear.scatter [tilespmem:s8], [sflag:$0x4], $0x80, $0x38;
	[tilespmem:$0xB600] =	vst v63  }
0x117: {  	s11 =	sadd.s32 $0x8050, s2  }
0x118: {  	[hbm4b:s11+s3] =	stream.linear.scatter [tilespmem:s19], [sflag:$0x4], $0x80, $0x38;
	[tilespmem:$0xB600] =	vst v63  }
0x119: {  	s7 =	sadd.s32 $0x8060, s2  }
0x11a: {  	[hbm4b:s7+s3] =	stream.linear.scatter [tilespmem:s20], [sflag:$0x4], $0x80, $0x38;
	[tilespmem:$0xB600] =	vst v63  }
0x11b: {  	s8 =	sadd.s32 $0x8070, s2  }
0x11c: {  	[hbm4b:s8+s3] =	stream.linear.scatter [tilespmem:s24], [sflag:$0x4], $0x80, $0x38;
	[tilespmem:$0xB600] =	vst v63  }
0x11d: {  	s11 =	sadd.s32 $0xC000, s2  }
0x11e: {  	[hbm4b:s11+s3] =	stream.linear.scatter [tilespmem:s25], [sflag:$0x4], $0x80, $0x38;
	[tilespmem:$0xB600] =	vst v63  }
0x11f: {  	s7 =	sadd.s32 $0xC010, s2  }
0x120: {  	[hbm4b:s7+s3] =	stream.linear.scatter [tilespmem:s26], [sflag:$0x4], $0x80, $0x38;
	[tilespmem:$0xB600] =	vst v63  }
0x121: {  	s8 =	sadd.s32 $0xC020, s2  }
0x122: {  	[hbm4b:s8+s3] =	stream.linear.scatter [tilespmem:s28], [sflag:$0x4], $0x80, $0x38;
	[tilespmem:$0xB600] =	vst v63  }
0x123: {  	s11 =	sadd.s32 $0xC030, s2  }
0x124: {  	[hbm4b:s11+s3] =	stream.linear.scatter [tilespmem:s29], [sflag:$0x4], $0x80, $0x38;
	[tilespmem:$0xB600] =	vst v63  }
0x125: {  	s10 =	sadd.s32 $0x1, s10;
	s7 =	sadd.s32 $0xC040, s2  }
0x126: {  	[hbm4b:s7+s3] =	stream.linear.scatter [tilespmem:s30], [sflag:$0x4], $0x80, $0x38;
	[tilespmem:$0xB600] =	vst v63  }
0x127: {  	p0 =	sne.s32 s10, $0x34;
	s8 =	sadd.s32 $0xC050, s2  }
0x128: {  	[hbm4b:s8+s3] =	stream.linear.scatter [tilespmem:s31], [sflag:$0x4], $0x80, $0x38;
	[tilespmem:$0xB600] =	vst v63  }
.Ltmp6:
0x129: {  	_ = 	snop;
	(pc) =	sbr.rel @p0 .LBB2_4-.Ltmp6, $4  }
0x12a: {  	s11 =	sadd.s32 $0xC060, s2  }
0x12b: {  	[hbm4b:s11+s3] =	stream.linear.scatter [tilespmem:s0], [sflag:$0x4], $0x80, $0x38;
	[tilespmem:$0xB600] =	vst v63  }
0x12c: {  	s2 =	sadd.s32 $0xC070, s2  }
0x12d: {  	[hbm4b:s2+s3] =	stream.linear.scatter [tilespmem:s1], [sflag:$0x4], $0x80, $0x38;
	[tilespmem:$0xB600] =	vst v63  }
0x12e: {  	s2 =	simm.s32 $0x3  }
0x12f: {  	_ =	swait.ge [sflag:s2], $0x1000  }
0x130: {  	[sflag:s2] =	ssyncset.done $0x0  }
0x131: {  	[sflag:s2] =	ssyncadd.s32 $0xFFFFF000  }
0x132: {  	_ =	swait.ge [sflag:s22], $0x1000  }
0x133: {  	s6 =	rddreg [dreg:$0x5]  }
0x134: {  	s18 =	rddreg [dreg:$0x4];
	s6 =	sadd.s32 $0x1, s6  }
0x135: {  	p0 =	sne.s32 s6, s18  }
.Ltmp7:
0x136: {  	_ = 	snop;
	(pc) =	sbr.rel @p0 .LBB2_1-.Ltmp7, $3  }
0x137: {  	_ =	sdelay $0x1  }
0x138: {  	[sflag:s22] =	ssyncset.done $0x0  }
0x139: {  	[sflag:s22] =	ssyncadd.s32 $0xFFFFF000  }
0x13a: {  	_ =	sfence.sel $0x180000  }
0x13b: {  	[bflag:$0x0] =	sbarrier.arrive $0xFFFF  }
0x13c: {  	_ =	strace $0x90000047  }
0x13d: {  	s0 =	stileid.u32;
	[bflag:$0x2] =	sbarrier.arrive $0xFFFF  }
0x13e: {  	p0 =	sne.s32 s0, $0x0;
	s0 =	rddreg [dreg:$0x2]  }
0x13f: {  	s0 =	sadd.s32 @!p0 $0x100000, s0  }
0x140: {  	[sflag:s0] =	ssyncadd.tile.s32 @!p0 $0x1;
	_ =	shalt  }
.Lfunc_end2:
_tile_overlayer_lowered:
.L_overlay_start_2:
0x141: {  	(tag) =	ssettag $0x2  }
0x142: {  	s0 =	rddreg [dreg:$0x0];
	s2 =	stileid.u32  }
0x143: {  	s1 =	rddreg [dreg:$0x1];
	p0 =	sne.s32 s2, $0x0  }
0x144: {  	s3 =	rddreg [dreg:$0x2];
	[bflag:$0x3] =	sbarrier.arrive $0xFFFF;
	s2 =	simm.s32 @!p0 $0x1C05  }
0x145: {  	[timem:s3], [sflag:s2] =	dma.local @!p0 [hbm:s0], s1  }
0x146: {  	s0 =	simm.s32 @!p0 $0x5  }
0x147: {  	_ =	swait.ge @!p0 [sflag:s0], s1  }
0x148: {  	s1 =	ssub.s32 @!p0 $0x0, s1;
	[sflag:s0] =	ssyncset.done @!p0 $0x0  }
0x149: {  	[sflag:s0] =	ssyncadd.s32 @!p0 s1  }
0x14a: {  	[bflag:$0x3] =	sbarrier.arrive $0xFFFF  }
0x14b: {  	_ =	shalt  }

</sc_bundles>
